<compile_context>
chip_gen: v7x
topology: tpu7x:2x2x1
jax: 0.10.2.dev20260603
libtpu: 0.0.44.dev20260713+nightly
codegen_flags: <defaults>
</compile_context>

<pallas_src>
import functools

import jax
import jax.numpy as jnp
from jax import lax
from jax.experimental import pallas as pl
from jax.experimental.pallas import tpu as pltpu
from jax.experimental.pallas import tpu_sc as plsc

N, E, D = 10000, 320000, 128
NC, NS = 2, 16
NW = NC * NS
K = 128
NB0 = 98
NB1 = 60
NBX = NB0
PAD_E = NS * (NB0 + NB1) * K - E
N_PAD = 10112
RPT = N_PAD // NS
ZR = 8
CNP = 10240
CRPT = CNP // NS

_mesh = plsc.VectorSubcoreMesh(core_axis_name="core", subcore_axis_name="subcore")


@functools.partial(
    pl.kernel,
    out_type=(
        jax.ShapeDtypeStruct((NC, N_PAD, D), jnp.float32),
        jax.ShapeDtypeStruct((NC * CNP,), jnp.float32),
    ),
    mesh=_mesh,
    scratch_types=[
        pltpu.VMEM((NBX, K), jnp.int32),
        pltpu.VMEM((NBX, K), jnp.int32),
        pltpu.VMEM((K, D), jnp.float32),
        pltpu.VMEM((K,), jnp.float32),
        pltpu.VMEM((CRPT,), jnp.float32),
        pltpu.VMEM_SHARED((N_PAD, D), jnp.float32),
        pltpu.VMEM_SHARED((CNP,), jnp.float32),
    ],
)
def _sc_aggregate(x_hbm, src_hbm, dst_hbm, sums_hbm, cnts_hbm,
                  src_v, dst_v, gbuf, obuf, czbuf, shared, cshared):
    cid = lax.axis_index("core")
    sid = lax.axis_index("subcore")
    wid = cid * NS + sid

    z16 = jnp.zeros((16,), jnp.float32)
    o16 = jnp.ones((16,), jnp.float32)

    @pl.loop(0, K)
    def _(r):
        for c in range(0, D, 16):
            gbuf[r, pl.ds(c, 16)] = z16

    @pl.loop(0, CRPT, step=16)
    def _(r):
        czbuf[pl.ds(r, 16)] = z16

    @pl.loop(0, K, step=16)
    def _(r):
        obuf[pl.ds(r, 16)] = o16

    r0 = sid * RPT

    @pl.loop(0, 512, step=K)
    def _(r):
        pltpu.sync_copy(gbuf, shared.at[pl.ds(r0 + r, K)])

    pltpu.sync_copy(gbuf.at[pl.ds(0, RPT - 512)],
                    shared.at[pl.ds(r0 + 512, RPT - 512)])

    pltpu.sync_copy(czbuf, cshared.at[pl.ds(sid * CRPT, CRPT)])

    pltpu.sync_copy(src_hbm.at[wid], src_v)
    pltpu.sync_copy(dst_hbm.at[wid], dst_v)

    plsc.subcore_barrier()

    nb = jnp.where(cid == 0, NB0, NB1)

    @pl.loop(0, nb)
    def _(j):
        pltpu.sync_copy(x_hbm.at[src_v.at[j]], gbuf)
        pltpu.sync_copy(gbuf, shared.at[dst_v.at[j]], add=True)
        pltpu.sync_copy(obuf, cshared.at[dst_v.at[j]], add=True)

    plsc.subcore_barrier()

    pltpu.sync_copy(shared.at[pl.ds(r0, RPT)], sums_hbm.at[cid, pl.ds(r0, RPT)])
    pltpu.sync_copy(cshared.at[pl.ds(sid * CRPT, CRPT)], czbuf)
    pltpu.sync_copy(czbuf, cnts_hbm.at[pl.ds(cid * CNP + sid * CRPT, CRPT)])


BM = 512


def _tc_body(s_ref, c_ref, x_ref, wl_ref, wr_ref, o_ref):
    i = pl.program_id(0)
    s = s_ref[0] + s_ref[1]
    cnt = c_ref[pl.ds(i * BM, BM)] + c_ref[pl.ds(CNP + i * BM, BM)]
    mean = s / jnp.maximum(cnt, 1.0).reshape(BM, 1)
    o_ref[...] = (
        lax.dot_general(mean, wl_ref[...], (((1,), (1,)), ((), ())),
                        preferred_element_type=jnp.float32,
                        precision=lax.Precision.HIGHEST)
        + lax.dot_general(x_ref[...], wr_ref[...], (((1,), (1,)), ((), ())),
                          preferred_element_type=jnp.float32,
                          precision=lax.Precision.HIGHEST)
    )


_tc_combine = pl.pallas_call(
    _tc_body,
    grid=(-(-N // BM),),
    in_specs=[
        pl.BlockSpec((NC, BM, D), lambda i: (0, i, 0)),
        pl.BlockSpec((NC * CNP,), lambda i: (0,)),
        pl.BlockSpec((BM, D), lambda i: (i, 0)),
        pl.BlockSpec((D, D), lambda i: (0, 0)),
        pl.BlockSpec((D, D), lambda i: (0, 0)),
    ],
    out_specs=pl.BlockSpec((BM, D), lambda i: (i, 0)),
    out_shape=jax.ShapeDtypeStruct((N, D), jnp.float32),
)


def _split(idx_p):
    e0 = NS * NB0 * K
    a0 = idx_p[:e0].reshape(NS, NB0, K)
    a1 = idx_p[e0:].reshape(NS, NB1, K)
    a1 = jnp.pad(a1, ((0, 0), (0, NBX - NB1), (0, 0)), constant_values=N)
    return jnp.concatenate([a0, a1], axis=0)


def kernel(x, edge_index, W_l, W_r):
    src = edge_index[0]
    dst = edge_index[1]
    src_w = _split(jnp.concatenate([src, jnp.zeros((PAD_E,), jnp.int32)]))
    dst_w = _split(jnp.concatenate([dst, jnp.full((PAD_E,), N, jnp.int32)]))
    sums, cnts = _sc_aggregate(x, src_w, dst_w)
    return _tc_combine(sums, cnts, x, W_l, W_r)

# --- scband reference (transcript-rebuilt; emitter-appended) ---
"""Pipeline reference for scband-sageconv-16604343566549 (READ-ONLY COPY).

The authoritative reference and input builder live on the scoring server;
editing this copy changes nothing except your own understanding.
"""

import jax, jax.numpy as jnp
import numpy as np

N = 10000
E = 320000
D = 128

def setup_inputs(seed: int = 0) -> dict:
    key = jax.random.key(seed)
    k1, k2, k3, k4 = jax.random.split(key, 4)
    x = jax.random.normal(k1, (N, D), dtype=jnp.float32)
    edge_index = jax.random.randint(k2, (2, E), 0, N, dtype=jnp.int32)
    # PyG SAGEConv params: lin_l applied to aggregated neighbors, lin_r applied to root (bias=False)
    scale = 1.0 / np.sqrt(D)
    W_l = jax.random.uniform(k3, (D, D), dtype=jnp.float32, minval=-scale, maxval=scale)
    W_r = jax.random.uniform(k4, (D, D), dtype=jnp.float32, minval=-scale, maxval=scale)
    return {"x": x, "edge_index": edge_index, "W_l": W_l, "W_r": W_r}

def reference(x, edge_index, W_l, W_r):
    # SAGEConv with mean aggregation: out_i = W_l @ mean_{j in N(i)} x_j + W_r @ x_i
    src = edge_index[0]
    dst = edge_index[1]
    msgs = jnp.take(x, src, axis=0)                      # gather: [E, D]
    summed = jax.ops.segment_sum(msgs, dst, num_segments=N)   # scatter-add: [N, D]
    counts = jax.ops.segment_sum(jnp.ones((E,), dtype=x.dtype), dst, num_segments=N)
    counts = jnp.clip(counts, 1.0, None)[:, None]
    mean_agg = summed / counts
    out = mean_agg @ W_l.T + x @ W_r.T
    return out

if __name__ == "__main__":
    import jax
    _d = setup_inputs()
    print(jax.jit(kernel)(*tuple(_d.values())))

</pallas_src>

<mosaic_0001>
#map = affine_map<(d0, d1) -> (0, 0)>
#map1 = affine_map<(d0, d1) -> (0, 0, 0)>
#map2 = affine_map<(d0, d1) -> (0)>
module attributes {stable_mosaic.version = 14 : i64} {
  func.func @_sc_aggregate(%arg0: i32, %arg1: i32, %arg2: memref<10000x128xf32, #tpu.memory_space<hbm>>, %arg3: memref<32x98x128xi32, #tpu.memory_space<hbm>>, %arg4: memref<32x98x128xi32, #tpu.memory_space<hbm>>, %arg5: memref<2x10112x128xf32, #tpu.memory_space<hbm>>, %arg6: memref<20480xf32, #tpu.memory_space<hbm>>, %arg7: memref<98x128xi32, #tpu.memory_space<vmem>>, %arg8: memref<98x128xi32, #tpu.memory_space<vmem>>, %arg9: memref<128x128xf32, #tpu.memory_space<vmem>>, %arg10: memref<128xf32, #tpu.memory_space<vmem>>, %arg11: memref<640xf32, #tpu.memory_space<vmem>>, %arg12: memref<10112x128xf32, #tpu.memory_space<vmem_shared>>, %arg13: memref<10240xf32, #tpu.memory_space<vmem_shared>>) attributes {dimension_semantics = [#tpu.dimension_semantics<core_parallel>, #tpu.dimension_semantics<subcore_parallel>], iteration_bounds = array<i64: 2, 16>, scalar_prefetch = 0 : i64, scratch_operands = 7 : i64, tpu.core_type = #tpu.core_type<sc_vector_subcore>, window_params = [{transform_indices = #map}, {transform_indices = #map1}, {transform_indices = #map1}, {transform_indices = #map1}, {transform_indices = #map2}]} {
    %mul3A = arith.constant 16 : i32
    %mul3A_0 = arith.muli %arg0, %mul3A : i32
    %add3A = arith.addi %mul3A_0, %arg1 : i32
    %broadcast_in_dim3A = arith.constant 0.000000e+00 : f32
    %broadcast_in_dim3A_1 = vector.broadcast %broadcast_in_dim3A : f32 to vector<16xf32>
    %broadcast_in_dim3A_2 = arith.constant 1.000000e+00 : f32
    %broadcast_in_dim3A_3 = vector.broadcast %broadcast_in_dim3A_2 : f32 to vector<16xf32>
    %scan3A = arith.constant 0 : i32
    %scan3A_4 = arith.constant 128 : i32
    %scan3A_5 = arith.addi %scan3A, %scan3A_4 : i32
    %scan3A_6 = arith.constant 1 : i32
    scf.for %scan3A_55 = %scan3A to %scan3A_5 step %scan3A_6  : i32 {
      %mul3A_56 = arith.constant 1 : i32
      %mul3A_57 = arith.muli %scan3A_55, %mul3A_56 : i32
      %add3A_58 = arith.constant 0 : i32
      %add3A_59 = arith.addi %add3A_58, %mul3A_57 : i32
      %swap3A = arith.index_cast %add3A_59 : i32 to index
      %swap3A_60 = arith.constant 0 : index
      %swap3A_61 = tpu.vector_load %arg9[%swap3A, %swap3A_60] {strides = array<i32>} : memref<128x128xf32, #tpu.memory_space<vmem>>, vector<1x16xf32>,
      %swap3A_62 = vector.shape_cast %swap3A_61 : vector<1x16xf32> to vector<16xf32>
      %swap3A_63 = vector.shape_cast %broadcast_in_dim3A_1 : vector<16xf32> to vector<1x16xf32>
      tpu.vector_store %arg9[%swap3A, %swap3A_60], %swap3A_63 {strides = array<i32>} : memref<128x128xf32, #tpu.memory_space<vmem>>, vector<1x16xf32>,
      %swap3A_64 = arith.index_cast %add3A_59 : i32 to index
      %swap3A_65 = arith.constant 16 : index
      %swap3A_66 = tpu.vector_load %arg9[%swap3A_64, %swap3A_65] {strides = array<i32>} : memref<128x128xf32, #tpu.memory_space<vmem>>, vector<1x16xf32>,
      %swap3A_67 = vector.shape_cast %swap3A_66 : vector<1x16xf32> to vector<16xf32>
      %swap3A_68 = vector.shape_cast %broadcast_in_dim3A_1 : vector<16xf32> to vector<1x16xf32>
      tpu.vector_store %arg9[%swap3A_64, %swap3A_65], %swap3A_68 {strides = array<i32>} : memref<128x128xf32, #tpu.memory_space<vmem>>, vector<1x16xf32>,
      %swap3A_69 = arith.index_cast %add3A_59 : i32 to index
      %swap3A_70 = arith.constant 32 : index
      %swap3A_71 = tpu.vector_load %arg9[%swap3A_69, %swap3A_70] {strides = array<i32>} : memref<128x128xf32, #tpu.memory_space<vmem>>, vector<1x16xf32>,
      %swap3A_72 = vector.shape_cast %swap3A_71 : vector<1x16xf32> to vector<16xf32>
      %swap3A_73 = vector.shape_cast %broadcast_in_dim3A_1 : vector<16xf32> to vector<1x16xf32>
      tpu.vector_store %arg9[%swap3A_69, %swap3A_70], %swap3A_73 {strides = array<i32>} : memref<128x128xf32, #tpu.memory_space<vmem>>, vector<1x16xf32>,
      %swap3A_74 = arith.index_cast %add3A_59 : i32 to index
      %swap3A_75 = arith.constant 48 : index
      %swap3A_76 = tpu.vector_load %arg9[%swap3A_74, %swap3A_75] {strides = array<i32>} : memref<128x128xf32, #tpu.memory_space<vmem>>, vector<1x16xf32>,
      %swap3A_77 = vector.shape_cast %swap3A_76 : vector<1x16xf32> to vector<16xf32>
      %swap3A_78 = vector.shape_cast %broadcast_in_dim3A_1 : vector<16xf32> to vector<1x16xf32>
      tpu.vector_store %arg9[%swap3A_74, %swap3A_75], %swap3A_78 {strides = array<i32>} : memref<128x128xf32, #tpu.memory_space<vmem>>, vector<1x16xf32>,
      %swap3A_79 = arith.index_cast %add3A_59 : i32 to index
      %swap3A_80 = arith.constant 64 : index
      %swap3A_81 = tpu.vector_load %arg9[%swap3A_79, %swap3A_80] {strides = array<i32>} : memref<128x128xf32, #tpu.memory_space<vmem>>, vector<1x16xf32>,
      %swap3A_82 = vector.shape_cast %swap3A_81 : vector<1x16xf32> to vector<16xf32>
      %swap3A_83 = vector.shape_cast %broadcast_in_dim3A_1 : vector<16xf32> to vector<1x16xf32>
      tpu.vector_store %arg9[%swap3A_79, %swap3A_80], %swap3A_83 {strides = array<i32>} : memref<128x128xf32, #tpu.memory_space<vmem>>, vector<1x16xf32>,
      %swap3A_84 = arith.index_cast %add3A_59 : i32 to index
      %swap3A_85 = arith.constant 80 : index
      %swap3A_86 = tpu.vector_load %arg9[%swap3A_84, %swap3A_85] {strides = array<i32>} : memref<128x128xf32, #tpu.memory_space<vmem>>, vector<1x16xf32>,
      %swap3A_87 = vector.shape_cast %swap3A_86 : vector<1x16xf32> to vector<16xf32>
      %swap3A_88 = vector.shape_cast %broadcast_in_dim3A_1 : vector<16xf32> to vector<1x16xf32>
      tpu.vector_store %arg9[%swap3A_84, %swap3A_85], %swap3A_88 {strides = array<i32>} : memref<128x128xf32, #tpu.memory_space<vmem>>, vector<1x16xf32>,
      %swap3A_89 = arith.index_cast %add3A_59 : i32 to index
      %swap3A_90 = arith.constant 96 : index
      %swap3A_91 = tpu.vector_load %arg9[%swap3A_89, %swap3A_90] {strides = array<i32>} : memref<128x128xf32, #tpu.memory_space<vmem>>, vector<1x16xf32>,
      %swap3A_92 = vector.shape_cast %swap3A_91 : vector<1x16xf32> to vector<16xf32>
      %swap3A_93 = vector.shape_cast %broadcast_in_dim3A_1 : vector<16xf32> to vector<1x16xf32>
      tpu.vector_store %arg9[%swap3A_89, %swap3A_90], %swap3A_93 {strides = array<i32>} : memref<128x128xf32, #tpu.memory_space<vmem>>, vector<1x16xf32>,
      %swap3A_94 = arith.index_cast %add3A_59 : i32 to index
      %swap3A_95 = arith.constant 112 : index
      %swap3A_96 = tpu.vector_load %arg9[%swap3A_94, %swap3A_95] {strides = array<i32>} : memref<128x128xf32, #tpu.memory_space<vmem>>, vector<1x16xf32>,
      %swap3A_97 = vector.shape_cast %swap3A_96 : vector<1x16xf32> to vector<16xf32>
      %swap3A_98 = vector.shape_cast %broadcast_in_dim3A_1 : vector<16xf32> to vector<1x16xf32>
      tpu.vector_store %arg9[%swap3A_94, %swap3A_95], %swap3A_98 {strides = array<i32>} : memref<128x128xf32, #tpu.memory_space<vmem>>, vector<1x16xf32>,
    }
    %scan3A_7 = arith.constant 128 : i32
    %scan3A_8 = arith.constant 0 : i32
    %scan3A_9 = arith.constant 40 : i32
    %scan3A_10 = arith.addi %scan3A_8, %scan3A_9 : i32
    %scan3A_11 = arith.constant 1 : i32
    scf.for %scan3A_55 = %scan3A_8 to %scan3A_10 step %scan3A_11  : i32 {
      %mul3A_56 = arith.constant 16 : i32
      %mul3A_57 = arith.muli %scan3A_55, %mul3A_56 : i32
      %add3A_58 = arith.constant 0 : i32
      %add3A_59 = arith.addi %add3A_58, %mul3A_57 : i32
      %swap3A = arith.index_cast %add3A_59 : i32 to index
      %swap3A_60 = tpu.vector_load %arg11[%swap3A] {strides = array<i32>} : memref<640xf32, #tpu.memory_space<vmem>>, vector<16xf32>,
      %swap3A_61 = vector.shape_cast %swap3A_60 : vector<16xf32> to vector<16xf32>
      %swap3A_62 = vector.shape_cast %broadcast_in_dim3A_1 : vector<16xf32> to vector<16xf32>
      tpu.vector_store %arg11[%swap3A], %swap3A_62 {strides = array<i32>} : memref<640xf32, #tpu.memory_space<vmem>>, vector<16xf32>,
    }
    %scan3A_12 = arith.constant 40 : i32
    %scan3A_13 = arith.constant 0 : i32
    %scan3A_14 = arith.constant 8 : i32
    %scan3A_15 = arith.addi %scan3A_13, %scan3A_14 : i32
    %scan3A_16 = arith.constant 1 : i32
    scf.for %scan3A_55 = %scan3A_13 to %scan3A_15 step %scan3A_16  : i32 {
      %mul3A_56 = arith.constant 16 : i32
      %mul3A_57 = arith.muli %scan3A_55, %mul3A_56 : i32
      %add3A_58 = arith.constant 0 : i32
      %add3A_59 = arith.addi %add3A_58, %mul3A_57 : i32
      %swap3A = arith.index_cast %add3A_59 : i32 to index
      %swap3A_60 = tpu.vector_load %arg10[%swap3A] {strides = array<i32>} : memref<128xf32, #tpu.memory_space<vmem>>, vector<16xf32>,
      %swap3A_61 = vector.shape_cast %swap3A_60 : vector<16xf32> to vector<16xf32>
      %swap3A_62 = vector.shape_cast %broadcast_in_dim3A_3 : vector<16xf32> to vector<16xf32>
      tpu.vector_store %arg10[%swap3A], %swap3A_62 {strides = array<i32>} : memref<128xf32, #tpu.memory_space<vmem>>, vector<16xf32>,
    }
    %scan3A_17 = arith.constant 8 : i32
    %mul3A_18 = arith.constant 632 : i32
    %mul3A_19 = arith.muli %arg1, %mul3A_18 : i32
    %scan3A_20 = arith.constant 0 : i32
    %scan3A_21 = arith.constant 4 : i32
    %scan3A_22 = arith.addi %scan3A_20, %scan3A_21 : i32
    %scan3A_23 = arith.constant 1 : i32
    scf.for %scan3A_55 = %scan3A_20 to %scan3A_22 step %scan3A_23  : i32 {
      %mul3A_56 = arith.constant 128 : i32
      %mul3A_57 = arith.muli %scan3A_55, %mul3A_56 : i32
      %add3A_58 = arith.constant 0 : i32
      %add3A_59 = arith.addi %add3A_58, %mul3A_57 : i32
      %add3A_60 = arith.addi %mul3A_19, %add3A_59 : i32
      "tpu.region"() ({
        %run_scoped3A = tpu.sem_alloc : memref<!tpu.dma_semaphore, #tpu.memory_space<semaphore_mem>>
        %dma_start3A = arith.constant 0 : i32
        %dma_start3A_61 = tpu.memref_slice %arg12[%add3A_60, %dma_start3A] : memref<10112x128xf32, #tpu.memory_space<vmem_shared>> -> memref<128x128xf32, #tpu.memory_space<vmem_shared>>
        %dma_start3A_62 = arith.constant 0 : i32
        %dma_start3A_63 = tpu.memref_slice %arg12[%add3A_60, %dma_start3A_62] : memref<10112x128xf32, #tpu.memory_space<vmem_shared>> -> memref<128x128xf32, #tpu.memory_space<vmem_shared>>
        tpu.enqueue_dma source(%arg9 : memref<128x128xf32, #tpu.memory_space<vmem>>) target(%dma_start3A_63 : memref<128x128xf32, #tpu.memory_space<vmem_shared>>) target_semaphore(%run_scoped3A : memref<!tpu.dma_semaphore, #tpu.memory_space<semaphore_mem>>)
        %dma_wait3A = arith.constant 0 : i32
        %dma_wait3A_64 = tpu.memref_slice %arg12[%add3A_60, %dma_wait3A] : memref<10112x128xf32, #tpu.memory_space<vmem_shared>> -> memref<128x128xf32, #tpu.memory_space<vmem_shared>>
        %dma_wait3A_65 = arith.constant 0 : i32
        %dma_wait3A_66 = tpu.memref_slice %arg12[%add3A_60, %dma_wait3A_65] : memref<10112x128xf32, #tpu.memory_space<vmem_shared>> -> memref<128x128xf32, #tpu.memory_space<vmem_shared>>
        tpu.wait_dma2 semaphore(%run_scoped3A : memref<!tpu.dma_semaphore, #tpu.memory_space<semaphore_mem>>) src(%arg9 : memref<128x128xf32, #tpu.memory_space<vmem>>) dst(%dma_wait3A_66 : memref<128x128xf32, #tpu.memory_space<vmem_shared>>)
        tpu.yield
      }) : () -> ()
    }
    %scan3A_24 = arith.constant 4 : i32
    %add3A_25 = arith.constant 512 : i32
    %add3A_26 = arith.addi %mul3A_19, %add3A_25 : i32
    "tpu.region"() ({
      %run_scoped3A = tpu.sem_alloc : memref<!tpu.dma_semaphore, #tpu.memory_space<semaphore_mem>>
      %dma_start3A = arith.constant 0 : i32
      %dma_start3A_55 = arith.constant 0 : i32
      %dma_start3A_56 = tpu.memref_slice %arg9[%dma_start3A, %dma_start3A_55] : memref<128x128xf32, #tpu.memory_space<vmem>> -> memref<120x128xf32, #tpu.memory_space<vmem>>
      %dma_start3A_57 = arith.constant 0 : i32
      %dma_start3A_58 = tpu.memref_slice %arg12[%add3A_26, %dma_start3A_57] : memref<10112x128xf32, #tpu.memory_space<vmem_shared>> -> memref<120x128xf32, #tpu.memory_space<vmem_shared>>
      %dma_start3A_59 = arith.constant 0 : i32
      %dma_start3A_60 = tpu.memref_slice %arg12[%add3A_26, %dma_start3A_59] : memref<10112x128xf32, #tpu.memory_space<vmem_shared>> -> memref<120x128xf32, #tpu.memory_space<vmem_shared>>
      %dma_start3A_61 = arith.constant 0 : i32
      %dma_start3A_62 = arith.constant 0 : i32
      %dma_start3A_63 = tpu.memref_slice %arg9[%dma_start3A_61, %dma_start3A_62] : memref<128x128xf32, #tpu.memory_space<vmem>> -> memref<120x128xf32, #tpu.memory_space<vmem>>
      tpu.enqueue_dma source(%dma_start3A_63 : memref<120x128xf32, #tpu.memory_space<vmem>>) target(%dma_start3A_60 : memref<120x128xf32, #tpu.memory_space<vmem_shared>>) target_semaphore(%run_scoped3A : memref<!tpu.dma_semaphore, #tpu.memory_space<semaphore_mem>>)
      %dma_wait3A = arith.constant 0 : i32
      %dma_wait3A_64 = arith.constant 0 : i32
      %dma_wait3A_65 = tpu.memref_slice %arg9[%dma_wait3A, %dma_wait3A_64] : memref<128x128xf32, #tpu.memory_space<vmem>> -> memref<120x128xf32, #tpu.memory_space<vmem>>
      %dma_wait3A_66 = arith.constant 0 : i32
      %dma_wait3A_67 = tpu.memref_slice %arg12[%add3A_26, %dma_wait3A_66] : memref<10112x128xf32, #tpu.memory_space<vmem_shared>> -> memref<120x128xf32, #tpu.memory_space<vmem_shared>>
      %dma_wait3A_68 = arith.constant 0 : i32
      %dma_wait3A_69 = tpu.memref_slice %arg12[%add3A_26, %dma_wait3A_68] : memref<10112x128xf32, #tpu.memory_space<vmem_shared>> -> memref<120x128xf32, #tpu.memory_space<vmem_shared>>
      %dma_wait3A_70 = arith.constant 0 : i32
      %dma_wait3A_71 = arith.constant 0 : i32
      %dma_wait3A_72 = tpu.memref_slice %arg9[%dma_wait3A_70, %dma_wait3A_71] : memref<128x128xf32, #tpu.memory_space<vmem>> -> memref<120x128xf32, #tpu.memory_space<vmem>>
      tpu.wait_dma2 semaphore(%run_scoped3A : memref<!tpu.dma_semaphore, #tpu.memory_space<semaphore_mem>>) src(%dma_wait3A_72 : memref<120x128xf32, #tpu.memory_space<vmem>>) dst(%dma_wait3A_69 : memref<120x128xf32, #tpu.memory_space<vmem_shared>>)
      tpu.yield
    }) : () -> ()
    %mul3A_27 = arith.constant 640 : i32
    %mul3A_28 = arith.muli %arg1, %mul3A_27 : i32
    "tpu.region"() ({
      %run_scoped3A = tpu.sem_alloc : memref<!tpu.dma_semaphore, #tpu.memory_space<semaphore_mem>>
      %dma_start3A = tpu.memref_slice %arg13[%mul3A_28] : memref<10240xf32, #tpu.memory_space<vmem_shared>> -> memref<640xf32, #tpu.memory_space<vmem_shared>>
      %dma_start3A_55 = tpu.memref_slice %arg13[%mul3A_28] : memref<10240xf32, #tpu.memory_space<vmem_shared>> -> memref<640xf32, #tpu.memory_space<vmem_shared>>
      tpu.enqueue_dma source(%arg11 : memref<640xf32, #tpu.memory_space<vmem>>) target(%dma_start3A_55 : memref<640xf32, #tpu.memory_space<vmem_shared>>) target_semaphore(%run_scoped3A : memref<!tpu.dma_semaphore, #tpu.memory_space<semaphore_mem>>)
      %dma_wait3A = tpu.memref_slice %arg13[%mul3A_28] : memref<10240xf32, #tpu.memory_space<vmem_shared>> -> memref<640xf32, #tpu.memory_space<vmem_shared>>
      %dma_wait3A_56 = tpu.memref_slice %arg13[%mul3A_28] : memref<10240xf32, #tpu.memory_space<vmem_shared>> -> memref<640xf32, #tpu.memory_space<vmem_shared>>
      tpu.wait_dma2 semaphore(%run_scoped3A : memref<!tpu.dma_semaphore, #tpu.memory_space<semaphore_mem>>) src(%arg11 : memref<640xf32, #tpu.memory_space<vmem>>) dst(%dma_wait3A_56 : memref<640xf32, #tpu.memory_space<vmem_shared>>)
      tpu.yield
    }) : () -> ()
    "tpu.region"() ({
      %run_scoped3A = tpu.sem_alloc : memref<!tpu.dma_semaphore, #tpu.memory_space<semaphore_mem>>
      %dma_start3A = arith.constant 0 : i32
      %dma_start3A_55 = arith.constant 0 : i32
      %dma_start3A_56 = tpu.memref_slice %arg3[%add3A, %dma_start3A, %dma_start3A_55] : memref<32x98x128xi32, #tpu.memory_space<hbm>> -> memref<1x98x128xi32, #tpu.memory_space<hbm>>
      %dma_start3A_57 = tpu.memref_squeeze %dma_start3A_56 : memref<1x98x128xi32, #tpu.memory_space<hbm>> -> memref<98x128xi32, #tpu.memory_space<hbm>>
      %dma_start3A_58 = arith.constant 0 : i32
      %dma_start3A_59 = arith.constant 0 : i32
      %dma_start3A_60 = tpu.memref_slice %arg3[%add3A, %dma_start3A_58, %dma_start3A_59] : memref<32x98x128xi32, #tpu.memory_space<hbm>> -> memref<1x98x128xi32, #tpu.memory_space<hbm>>
      %dma_start3A_61 = tpu.memref_squeeze %dma_start3A_60 : memref<1x98x128xi32, #tpu.memory_space<hbm>> -> memref<98x128xi32, #tpu.memory_space<hbm>>
      tpu.enqueue_dma source(%dma_start3A_61 : memref<98x128xi32, #tpu.memory_space<hbm>>) target(%arg7 : memref<98x128xi32, #tpu.memory_space<vmem>>) target_semaphore(%run_scoped3A : memref<!tpu.dma_semaphore, #tpu.memory_space<semaphore_mem>>)
      %dma_wait3A = arith.constant 0 : i32
      %dma_wait3A_62 = arith.constant 0 : i32
      %dma_wait3A_63 = tpu.memref_slice %arg3[%add3A, %dma_wait3A, %dma_wait3A_62] : memref<32x98x128xi32, #tpu.memory_space<hbm>> -> memref<1x98x128xi32, #tpu.memory_space<hbm>>
      %dma_wait3A_64 = tpu.memref_squeeze %dma_wait3A_63 : memref<1x98x128xi32, #tpu.memory_space<hbm>> -> memref<98x128xi32, #tpu.memory_space<hbm>>
      %dma_wait3A_65 = arith.constant 0 : i32
      %dma_wait3A_66 = arith.constant 0 : i32
      %dma_wait3A_67 = tpu.memref_slice %arg3[%add3A, %dma_wait3A_65, %dma_wait3A_66] : memref<32x98x128xi32, #tpu.memory_space<hbm>> -> memref<1x98x128xi32, #tpu.memory_space<hbm>>
      %dma_wait3A_68 = tpu.memref_squeeze %dma_wait3A_67 : memref<1x98x128xi32, #tpu.memory_space<hbm>> -> memref<98x128xi32, #tpu.memory_space<hbm>>
      tpu.wait_dma2 semaphore(%run_scoped3A : memref<!tpu.dma_semaphore, #tpu.memory_space<semaphore_mem>>) src(%dma_wait3A_68 : memref<98x128xi32, #tpu.memory_space<hbm>>) dst(%arg7 : memref<98x128xi32, #tpu.memory_space<vmem>>)
      tpu.yield
    }) : () -> ()
    "tpu.region"() ({
      %run_scoped3A = tpu.sem_alloc : memref<!tpu.dma_semaphore, #tpu.memory_space<semaphore_mem>>
      %dma_start3A = arith.constant 0 : i32
      %dma_start3A_55 = arith.constant 0 : i32
      %dma_start3A_56 = tpu.memref_slice %arg4[%add3A, %dma_start3A, %dma_start3A_55] : memref<32x98x128xi32, #tpu.memory_space<hbm>> -> memref<1x98x128xi32, #tpu.memory_space<hbm>>
      %dma_start3A_57 = tpu.memref_squeeze %dma_start3A_56 : memref<1x98x128xi32, #tpu.memory_space<hbm>> -> memref<98x128xi32, #tpu.memory_space<hbm>>
      %dma_start3A_58 = arith.constant 0 : i32
      %dma_start3A_59 = arith.constant 0 : i32
      %dma_start3A_60 = tpu.memref_slice %arg4[%add3A, %dma_start3A_58, %dma_start3A_59] : memref<32x98x128xi32, #tpu.memory_space<hbm>> -> memref<1x98x128xi32, #tpu.memory_space<hbm>>
      %dma_start3A_61 = tpu.memref_squeeze %dma_start3A_60 : memref<1x98x128xi32, #tpu.memory_space<hbm>> -> memref<98x128xi32, #tpu.memory_space<hbm>>
      tpu.enqueue_dma source(%dma_start3A_61 : memref<98x128xi32, #tpu.memory_space<hbm>>) target(%arg8 : memref<98x128xi32, #tpu.memory_space<vmem>>) target_semaphore(%run_scoped3A : memref<!tpu.dma_semaphore, #tpu.memory_space<semaphore_mem>>)
      %dma_wait3A = arith.constant 0 : i32
      %dma_wait3A_62 = arith.constant 0 : i32
      %dma_wait3A_63 = tpu.memref_slice %arg4[%add3A, %dma_wait3A, %dma_wait3A_62] : memref<32x98x128xi32, #tpu.memory_space<hbm>> -> memref<1x98x128xi32, #tpu.memory_space<hbm>>
      %dma_wait3A_64 = tpu.memref_squeeze %dma_wait3A_63 : memref<1x98x128xi32, #tpu.memory_space<hbm>> -> memref<98x128xi32, #tpu.memory_space<hbm>>
      %dma_wait3A_65 = arith.constant 0 : i32
      %dma_wait3A_66 = arith.constant 0 : i32
      %dma_wait3A_67 = tpu.memref_slice %arg4[%add3A, %dma_wait3A_65, %dma_wait3A_66] : memref<32x98x128xi32, #tpu.memory_space<hbm>> -> memref<1x98x128xi32, #tpu.memory_space<hbm>>
      %dma_wait3A_68 = tpu.memref_squeeze %dma_wait3A_67 : memref<1x98x128xi32, #tpu.memory_space<hbm>> -> memref<98x128xi32, #tpu.memory_space<hbm>>
      tpu.wait_dma2 semaphore(%run_scoped3A : memref<!tpu.dma_semaphore, #tpu.memory_space<semaphore_mem>>) src(%dma_wait3A_68 : memref<98x128xi32, #tpu.memory_space<hbm>>) dst(%arg8 : memref<98x128xi32, #tpu.memory_space<vmem>>)
      tpu.yield
    }) : () -> ()
    %barrier3A = arith.constant 0 : index
    tpu.barrier barrier_id(%barrier3A)
    %eq3A = arith.constant 0 : i32
    %eq3A_29 = arith.cmpi eq, %arg0, %eq3A : i32
    %jit3A = arith.constant 98 : i32
    %jit3A_30 = arith.constant 60 : i32
    %select_n3A = arith.select %eq3A_29, %jit3A, %jit3A_30 : i32
    %sub3A = arith.constant 0 : i32
    %sub3A_31 = arith.subi %select_n3A, %sub3A : i32
    %sub3A_32 = arith.constant 1 : i32
    %sub3A_33 = arith.constant 1 : i32
    %sub3A_34 = arith.subi %sub3A_32, %sub3A_33 : i32
    %add3A_35 = arith.addi %sub3A_31, %sub3A_34 : i32
    %div3A = arith.constant 1 : i32
    %div3A_36 = arith.divsi %add3A_35, %div3A : i32
    %while3A = arith.constant 1 : i32
    %while3A_37 = arith.constant 0 : i32
    %while3A_38 = arith.constant 0 : i32
    %while3A_39 = arith.subi %div3A_36, %while3A_38 : i32
    %while3A_40 = arith.addi %while3A_38, %while3A_39 : i32
    %while3A_41 = arith.constant 1 : i32
    %while3A_42 = arith.divsi %while3A_39, %while3A_41 : i32
    %while3A_43 = arith.muli %while3A_42, %while3A_41 : i32
    %while3A_44 = arith.addi %while3A_38, %while3A_43 : i32
    %while3A_45 = arith.constant 1 : i32
    scf.for %while3A_55 = %while3A_38 to %while3A_44 step %while3A_45  : i32 {
      %mul3A_56 = arith.muli %while3A_55, %while3A : i32
      %add3A_57 = arith.addi %while3A_37, %mul3A_56 : i32
      "tpu.region"() ({
        %run_scoped3A = tpu.sem_alloc : memref<!tpu.dma_semaphore, #tpu.memory_space<semaphore_mem>>
        %dma_start3A = arith.constant 0 : i32
        %dma_start3A_58 = tpu.memref_slice %arg7[%add3A_57, %dma_start3A] : memref<98x128xi32, #tpu.memory_space<vmem>> -> memref<1x128xi32, #tpu.memory_space<vmem>>
        %dma_start3A_59 = tpu.memref_squeeze %dma_start3A_58 : memref<1x128xi32, #tpu.memory_space<vmem>> -> memref<128xi32, #tpu.memory_space<vmem>>
        %dma_start3A_60 = arith.constant 0 : i32
        %dma_start3A_61 = arith.constant 0 : i32
        %dma_start3A_62 = tpu.memref_slice %arg2[%dma_start3A_60, %dma_start3A_61] : memref<10000x128xf32, #tpu.memory_space<hbm>> -> memref<10000x128xf32, #tpu.memory_space<hbm>>
        tpu.enqueue_indirect_dma source(%dma_start3A_62 : memref<10000x128xf32, #tpu.memory_space<hbm>>) target(%arg9 : memref<128x128xf32, #tpu.memory_space<vmem>>) offsets(%dma_start3A_59 : memref<128xi32, #tpu.memory_space<vmem>>) semaphore(%run_scoped3A : memref<!tpu.dma_semaphore, #tpu.memory_space<semaphore_mem>>)
        %dma_wait3A = arith.constant 0 : i32
        %dma_wait3A_63 = tpu.memref_slice %arg7[%add3A_57, %dma_wait3A] : memref<98x128xi32, #tpu.memory_space<vmem>> -> memref<1x128xi32, #tpu.memory_space<vmem>>
        %dma_wait3A_64 = tpu.memref_squeeze %dma_wait3A_63 : memref<1x128xi32, #tpu.memory_space<vmem>> -> memref<128xi32, #tpu.memory_space<vmem>>
        %dma_wait3A_65 = arith.constant 0 : i32
        %dma_wait3A_66 = arith.constant 0 : i32
        %dma_wait3A_67 = tpu.memref_slice %arg2[%dma_wait3A_65, %dma_wait3A_66] : memref<10000x128xf32, #tpu.memory_space<hbm>> -> memref<10000x128xf32, #tpu.memory_space<hbm>>
        tpu.wait_indirect_dma semaphore(%run_scoped3A : memref<!tpu.dma_semaphore, #tpu.memory_space<semaphore_mem>>) src(%dma_wait3A_67 : memref<10000x128xf32, #tpu.memory_space<hbm>>) dst(%arg9 : memref<128x128xf32, #tpu.memory_space<vmem>>)
        tpu.yield
      }) : () -> ()
      "tpu.region"() ({
        %run_scoped3A = tpu.sem_alloc : memref<!tpu.dma_semaphore, #tpu.memory_space<semaphore_mem>>
        %dma_start3A = arith.constant 0 : i32
        %dma_start3A_58 = tpu.memref_slice %arg8[%add3A_57, %dma_start3A] : memref<98x128xi32, #tpu.memory_space<vmem>> -> memref<1x128xi32, #tpu.memory_space<vmem>>
        %dma_start3A_59 = tpu.memref_squeeze %dma_start3A_58 : memref<1x128xi32, #tpu.memory_space<vmem>> -> memref<128xi32, #tpu.memory_space<vmem>>
        %dma_start3A_60 = arith.constant 0 : i32
        %dma_start3A_61 = arith.constant 0 : i32
        %dma_start3A_62 = tpu.memref_slice %arg12[%dma_start3A_60, %dma_start3A_61] : memref<10112x128xf32, #tpu.memory_space<vmem_shared>> -> memref<10112x128xf32, #tpu.memory_space<vmem_shared>>
        tpu.enqueue_indirect_dma source(%arg9 : memref<128x128xf32, #tpu.memory_space<vmem>>) target(%dma_start3A_62 : memref<10112x128xf32, #tpu.memory_space<vmem_shared>>) offsets(%dma_start3A_59 : memref<128xi32, #tpu.memory_space<vmem>>) semaphore(%run_scoped3A : memref<!tpu.dma_semaphore, #tpu.memory_space<semaphore_mem>>) {add = true}
        %dma_wait3A = arith.constant 0 : i32
        %dma_wait3A_63 = tpu.memref_slice %arg8[%add3A_57, %dma_wait3A] : memref<98x128xi32, #tpu.memory_space<vmem>> -> memref<1x128xi32, #tpu.memory_space<vmem>>
        %dma_wait3A_64 = tpu.memref_squeeze %dma_wait3A_63 : memref<1x128xi32, #tpu.memory_space<vmem>> -> memref<128xi32, #tpu.memory_space<vmem>>
        %dma_wait3A_65 = arith.constant 0 : i32
        %dma_wait3A_66 = arith.constant 0 : i32
        %dma_wait3A_67 = tpu.memref_slice %arg12[%dma_wait3A_65, %dma_wait3A_66] : memref<10112x128xf32, #tpu.memory_space<vmem_shared>> -> memref<10112x128xf32, #tpu.memory_space<vmem_shared>>
        tpu.wait_indirect_dma semaphore(%run_scoped3A : memref<!tpu.dma_semaphore, #tpu.memory_space<semaphore_mem>>) src(%arg9 : memref<128x128xf32, #tpu.memory_space<vmem>>) dst(%dma_wait3A_67 : memref<10112x128xf32, #tpu.memory_space<vmem_shared>>)
        tpu.yield
      }) : () -> ()
      "tpu.region"() ({
        %run_scoped3A = tpu.sem_alloc : memref<!tpu.dma_semaphore, #tpu.memory_space<semaphore_mem>>
        %dma_start3A = arith.constant 0 : i32
        %dma_start3A_58 = tpu.memref_slice %arg8[%add3A_57, %dma_start3A] : memref<98x128xi32, #tpu.memory_space<vmem>> -> memref<1x128xi32, #tpu.memory_space<vmem>>
        %dma_start3A_59 = tpu.memref_squeeze %dma_start3A_58 : memref<1x128xi32, #tpu.memory_space<vmem>> -> memref<128xi32, #tpu.memory_space<vmem>>
        %dma_start3A_60 = arith.constant 0 : i32
        %dma_start3A_61 = tpu.memref_slice %arg13[%dma_start3A_60] : memref<10240xf32, #tpu.memory_space<vmem_shared>> -> memref<10240xf32, #tpu.memory_space<vmem_shared>>
        tpu.enqueue_indirect_dma source(%arg10 : memref<128xf32, #tpu.memory_space<vmem>>) target(%dma_start3A_61 : memref<10240xf32, #tpu.memory_space<vmem_shared>>) offsets(%dma_start3A_59 : memref<128xi32, #tpu.memory_space<vmem>>) semaphore(%run_scoped3A : memref<!tpu.dma_semaphore, #tpu.memory_space<semaphore_mem>>) {add = true}
        %dma_wait3A = arith.constant 0 : i32
        %dma_wait3A_62 = tpu.memref_slice %arg8[%add3A_57, %dma_wait3A] : memref<98x128xi32, #tpu.memory_space<vmem>> -> memref<1x128xi32, #tpu.memory_space<vmem>>
        %dma_wait3A_63 = tpu.memref_squeeze %dma_wait3A_62 : memref<1x128xi32, #tpu.memory_space<vmem>> -> memref<128xi32, #tpu.memory_space<vmem>>
        %dma_wait3A_64 = arith.constant 0 : i32
        %dma_wait3A_65 = tpu.memref_slice %arg13[%dma_wait3A_64] : memref<10240xf32, #tpu.memory_space<vmem_shared>> -> memref<10240xf32, #tpu.memory_space<vmem_shared>>
        tpu.wait_indirect_dma semaphore(%run_scoped3A : memref<!tpu.dma_semaphore, #tpu.memory_space<semaphore_mem>>) src(%arg10 : memref<128xf32, #tpu.memory_space<vmem>>) dst(%dma_wait3A_65 : memref<10240xf32, #tpu.memory_space<vmem_shared>>)
        tpu.yield
      }) : () -> ()
    }
    %while3A_46 = arith.constant 1 : i32
    scf.for %while3A_55 = %while3A_44 to %while3A_40 step %while3A_46  : i32 {
      %mul3A_56 = arith.muli %while3A_55, %while3A : i32
      %add3A_57 = arith.addi %while3A_37, %mul3A_56 : i32
      "tpu.region"() ({
        %run_scoped3A = tpu.sem_alloc : memref<!tpu.dma_semaphore, #tpu.memory_space<semaphore_mem>>
        %dma_start3A = arith.constant 0 : i32
        %dma_start3A_58 = tpu.memref_slice %arg7[%add3A_57, %dma_start3A] : memref<98x128xi32, #tpu.memory_space<vmem>> -> memref<1x128xi32, #tpu.memory_space<vmem>>
        %dma_start3A_59 = tpu.memref_squeeze %dma_start3A_58 : memref<1x128xi32, #tpu.memory_space<vmem>> -> memref<128xi32, #tpu.memory_space<vmem>>
        %dma_start3A_60 = arith.constant 0 : i32
        %dma_start3A_61 = arith.constant 0 : i32
        %dma_start3A_62 = tpu.memref_slice %arg2[%dma_start3A_60, %dma_start3A_61] : memref<10000x128xf32, #tpu.memory_space<hbm>> -> memref<10000x128xf32, #tpu.memory_space<hbm>>
        tpu.enqueue_indirect_dma source(%dma_start3A_62 : memref<10000x128xf32, #tpu.memory_space<hbm>>) target(%arg9 : memref<128x128xf32, #tpu.memory_space<vmem>>) offsets(%dma_start3A_59 : memref<128xi32, #tpu.memory_space<vmem>>) semaphore(%run_scoped3A : memref<!tpu.dma_semaphore, #tpu.memory_space<semaphore_mem>>)
        %dma_wait3A = arith.constant 0 : i32
        %dma_wait3A_63 = tpu.memref_slice %arg7[%add3A_57, %dma_wait3A] : memref<98x128xi32, #tpu.memory_space<vmem>> -> memref<1x128xi32, #tpu.memory_space<vmem>>
        %dma_wait3A_64 = tpu.memref_squeeze %dma_wait3A_63 : memref<1x128xi32, #tpu.memory_space<vmem>> -> memref<128xi32, #tpu.memory_space<vmem>>
        %dma_wait3A_65 = arith.constant 0 : i32
        %dma_wait3A_66 = arith.constant 0 : i32
        %dma_wait3A_67 = tpu.memref_slice %arg2[%dma_wait3A_65, %dma_wait3A_66] : memref<10000x128xf32, #tpu.memory_space<hbm>> -> memref<10000x128xf32, #tpu.memory_space<hbm>>
        tpu.wait_indirect_dma semaphore(%run_scoped3A : memref<!tpu.dma_semaphore, #tpu.memory_space<semaphore_mem>>) src(%dma_wait3A_67 : memref<10000x128xf32, #tpu.memory_space<hbm>>) dst(%arg9 : memref<128x128xf32, #tpu.memory_space<vmem>>)
        tpu.yield
      }) : () -> ()
      "tpu.region"() ({
        %run_scoped3A = tpu.sem_alloc : memref<!tpu.dma_semaphore, #tpu.memory_space<semaphore_mem>>
        %dma_start3A = arith.constant 0 : i32
        %dma_start3A_58 = tpu.memref_slice %arg8[%add3A_57, %dma_start3A] : memref<98x128xi32, #tpu.memory_space<vmem>> -> memref<1x128xi32, #tpu.memory_space<vmem>>
        %dma_start3A_59 = tpu.memref_squeeze %dma_start3A_58 : memref<1x128xi32, #tpu.memory_space<vmem>> -> memref<128xi32, #tpu.memory_space<vmem>>
        %dma_start3A_60 = arith.constant 0 : i32
        %dma_start3A_61 = arith.constant 0 : i32
        %dma_start3A_62 = tpu.memref_slice %arg12[%dma_start3A_60, %dma_start3A_61] : memref<10112x128xf32, #tpu.memory_space<vmem_shared>> -> memref<10112x128xf32, #tpu.memory_space<vmem_shared>>
        tpu.enqueue_indirect_dma source(%arg9 : memref<128x128xf32, #tpu.memory_space<vmem>>) target(%dma_start3A_62 : memref<10112x128xf32, #tpu.memory_space<vmem_shared>>) offsets(%dma_start3A_59 : memref<128xi32, #tpu.memory_space<vmem>>) semaphore(%run_scoped3A : memref<!tpu.dma_semaphore, #tpu.memory_space<semaphore_mem>>) {add = true}
        %dma_wait3A = arith.constant 0 : i32
        %dma_wait3A_63 = tpu.memref_slice %arg8[%add3A_57, %dma_wait3A] : memref<98x128xi32, #tpu.memory_space<vmem>> -> memref<1x128xi32, #tpu.memory_space<vmem>>
        %dma_wait3A_64 = tpu.memref_squeeze %dma_wait3A_63 : memref<1x128xi32, #tpu.memory_space<vmem>> -> memref<128xi32, #tpu.memory_space<vmem>>
        %dma_wait3A_65 = arith.constant 0 : i32
        %dma_wait3A_66 = arith.constant 0 : i32
        %dma_wait3A_67 = tpu.memref_slice %arg12[%dma_wait3A_65, %dma_wait3A_66] : memref<10112x128xf32, #tpu.memory_space<vmem_shared>> -> memref<10112x128xf32, #tpu.memory_space<vmem_shared>>
        tpu.wait_indirect_dma semaphore(%run_scoped3A : memref<!tpu.dma_semaphore, #tpu.memory_space<semaphore_mem>>) src(%arg9 : memref<128x128xf32, #tpu.memory_space<vmem>>) dst(%dma_wait3A_67 : memref<10112x128xf32, #tpu.memory_space<vmem_shared>>)
        tpu.yield
      }) : () -> ()
      "tpu.region"() ({
        %run_scoped3A = tpu.sem_alloc : memref<!tpu.dma_semaphore, #tpu.memory_space<semaphore_mem>>
        %dma_start3A = arith.constant 0 : i32
        %dma_start3A_58 = tpu.memref_slice %arg8[%add3A_57, %dma_start3A] : memref<98x128xi32, #tpu.memory_space<vmem>> -> memref<1x128xi32, #tpu.memory_space<vmem>>
        %dma_start3A_59 = tpu.memref_squeeze %dma_start3A_58 : memref<1x128xi32, #tpu.memory_space<vmem>> -> memref<128xi32, #tpu.memory_space<vmem>>
        %dma_start3A_60 = arith.constant 0 : i32
        %dma_start3A_61 = tpu.memref_slice %arg13[%dma_start3A_60] : memref<10240xf32, #tpu.memory_space<vmem_shared>> -> memref<10240xf32, #tpu.memory_space<vmem_shared>>
        tpu.enqueue_indirect_dma source(%arg10 : memref<128xf32, #tpu.memory_space<vmem>>) target(%dma_start3A_61 : memref<10240xf32, #tpu.memory_space<vmem_shared>>) offsets(%dma_start3A_59 : memref<128xi32, #tpu.memory_space<vmem>>) semaphore(%run_scoped3A : memref<!tpu.dma_semaphore, #tpu.memory_space<semaphore_mem>>) {add = true}
        %dma_wait3A = arith.constant 0 : i32
        %dma_wait3A_62 = tpu.memref_slice %arg8[%add3A_57, %dma_wait3A] : memref<98x128xi32, #tpu.memory_space<vmem>> -> memref<1x128xi32, #tpu.memory_space<vmem>>
        %dma_wait3A_63 = tpu.memref_squeeze %dma_wait3A_62 : memref<1x128xi32, #tpu.memory_space<vmem>> -> memref<128xi32, #tpu.memory_space<vmem>>
        %dma_wait3A_64 = arith.constant 0 : i32
        %dma_wait3A_65 = tpu.memref_slice %arg13[%dma_wait3A_64] : memref<10240xf32, #tpu.memory_space<vmem_shared>> -> memref<10240xf32, #tpu.memory_space<vmem_shared>>
        tpu.wait_indirect_dma semaphore(%run_scoped3A : memref<!tpu.dma_semaphore, #tpu.memory_space<semaphore_mem>>) src(%arg10 : memref<128xf32, #tpu.memory_space<vmem>>) dst(%dma_wait3A_65 : memref<10240xf32, #tpu.memory_space<vmem_shared>>)
        tpu.yield
      }) : () -> ()
    }
    %barrier3A_47 = arith.constant 0 : index
    tpu.barrier barrier_id(%barrier3A_47)
    "tpu.region"() ({
      %run_scoped3A = tpu.sem_alloc : memref<!tpu.dma_semaphore, #tpu.memory_space<semaphore_mem>>
      %dma_start3A = arith.constant 0 : i32
      %dma_start3A_55 = tpu.memref_slice %arg5[%arg0, %mul3A_19, %dma_start3A] : memref<2x10112x128xf32, #tpu.memory_space<hbm>> -> memref<1x632x128xf32, #tpu.memory_space<hbm>>
      %dma_start3A_56 = tpu.memref_squeeze %dma_start3A_55 : memref<1x632x128xf32, #tpu.memory_space<hbm>> -> memref<632x128xf32, #tpu.memory_space<hbm>>
      %dma_start3A_57 = arith.constant 0 : i32
      %dma_start3A_58 = tpu.memref_slice %arg12[%mul3A_19, %dma_start3A_57] : memref<10112x128xf32, #tpu.memory_space<vmem_shared>> -> memref<632x128xf32, #tpu.memory_space<vmem_shared>>
      tpu.enqueue_dma source(%dma_start3A_58 : memref<632x128xf32, #tpu.memory_space<vmem_shared>>) target(%dma_start3A_56 : memref<632x128xf32, #tpu.memory_space<hbm>>) target_semaphore(%run_scoped3A : memref<!tpu.dma_semaphore, #tpu.memory_space<semaphore_mem>>)
      %dma_wait3A = arith.constant 0 : i32
      %dma_wait3A_59 = tpu.memref_slice %arg5[%arg0, %mul3A_19, %dma_wait3A] : memref<2x10112x128xf32, #tpu.memory_space<hbm>> -> memref<1x632x128xf32, #tpu.memory_space<hbm>>
      %dma_wait3A_60 = tpu.memref_squeeze %dma_wait3A_59 : memref<1x632x128xf32, #tpu.memory_space<hbm>> -> memref<632x128xf32, #tpu.memory_space<hbm>>
      %dma_wait3A_61 = arith.constant 0 : i32
      %dma_wait3A_62 = tpu.memref_slice %arg12[%mul3A_19, %dma_wait3A_61] : memref<10112x128xf32, #tpu.memory_space<vmem_shared>> -> memref<632x128xf32, #tpu.memory_space<vmem_shared>>
      tpu.wait_dma2 semaphore(%run_scoped3A : memref<!tpu.dma_semaphore, #tpu.memory_space<semaphore_mem>>) src(%dma_wait3A_62 : memref<632x128xf32, #tpu.memory_space<vmem_shared>>) dst(%dma_wait3A_60 : memref<632x128xf32, #tpu.memory_space<hbm>>)
      tpu.yield
    }) : () -> ()
    %mul3A_48 = arith.constant 640 : i32
    %mul3A_49 = arith.muli %arg1, %mul3A_48 : i32
    "tpu.region"() ({
      %run_scoped3A = tpu.sem_alloc : memref<!tpu.dma_semaphore, #tpu.memory_space<semaphore_mem>>
      %dma_start3A = tpu.memref_slice %arg13[%mul3A_49] : memref<10240xf32, #tpu.memory_space<vmem_shared>> -> memref<640xf32, #tpu.memory_space<vmem_shared>>
      %dma_start3A_55 = tpu.memref_slice %arg13[%mul3A_49] : memref<10240xf32, #tpu.memory_space<vmem_shared>> -> memref<640xf32, #tpu.memory_space<vmem_shared>>
      tpu.enqueue_dma source(%dma_start3A_55 : memref<640xf32, #tpu.memory_space<vmem_shared>>) target(%arg11 : memref<640xf32, #tpu.memory_space<vmem>>) target_semaphore(%run_scoped3A : memref<!tpu.dma_semaphore, #tpu.memory_space<semaphore_mem>>)
      %dma_wait3A = tpu.memref_slice %arg13[%mul3A_49] : memref<10240xf32, #tpu.memory_space<vmem_shared>> -> memref<640xf32, #tpu.memory_space<vmem_shared>>
      %dma_wait3A_56 = tpu.memref_slice %arg13[%mul3A_49] : memref<10240xf32, #tpu.memory_space<vmem_shared>> -> memref<640xf32, #tpu.memory_space<vmem_shared>>
      tpu.wait_dma2 semaphore(%run_scoped3A : memref<!tpu.dma_semaphore, #tpu.memory_space<semaphore_mem>>) src(%dma_wait3A_56 : memref<640xf32, #tpu.memory_space<vmem_shared>>) dst(%arg11 : memref<640xf32, #tpu.memory_space<vmem>>)
      tpu.yield
    }) : () -> ()
    %mul3A_50 = arith.constant 10240 : i32
    %mul3A_51 = arith.muli %arg0, %mul3A_50 : i32
    %mul3A_52 = arith.constant 640 : i32
    %mul3A_53 = arith.muli %arg1, %mul3A_52 : i32
    %add3A_54 = arith.addi %mul3A_51, %mul3A_53 : i32
    "tpu.region"() ({
      %run_scoped3A = tpu.sem_alloc : memref<!tpu.dma_semaphore, #tpu.memory_space<semaphore_mem>>
      %dma_start3A = tpu.memref_slice %arg6[%add3A_54] : memref<20480xf32, #tpu.memory_space<hbm>> -> memref<640xf32, #tpu.memory_space<hbm>>
      %dma_start3A_55 = tpu.memref_slice %arg6[%add3A_54] : memref<20480xf32, #tpu.memory_space<hbm>> -> memref<640xf32, #tpu.memory_space<hbm>>
      tpu.enqueue_dma source(%arg11 : memref<640xf32, #tpu.memory_space<vmem>>) target(%dma_start3A_55 : memref<640xf32, #tpu.memory_space<hbm>>) target_semaphore(%run_scoped3A : memref<!tpu.dma_semaphore, #tpu.memory_space<semaphore_mem>>)
      %dma_wait3A = tpu.memref_slice %arg6[%add3A_54] : memref<20480xf32, #tpu.memory_space<hbm>> -> memref<640xf32, #tpu.memory_space<hbm>>
      %dma_wait3A_56 = tpu.memref_slice %arg6[%add3A_54] : memref<20480xf32, #tpu.memory_space<hbm>> -> memref<640xf32, #tpu.memory_space<hbm>>
      tpu.wait_dma2 semaphore(%run_scoped3A : memref<!tpu.dma_semaphore, #tpu.memory_space<semaphore_mem>>) src(%arg11 : memref<640xf32, #tpu.memory_space<vmem>>) dst(%dma_wait3A_56 : memref<640xf32, #tpu.memory_space<hbm>>)
      tpu.yield
    }) : () -> ()
    return
  }
}

module attributes {stable_mosaic.version = 14 : i64} {
  func.func @_tc_body(%arg0: i32, %arg1: memref<2x512x128xf32, #tpu.memory_space<vmem>>, %arg2: memref<20480xf32, #tpu.memory_space<vmem>>, %arg3: memref<512x128xf32, #tpu.memory_space<vmem>>, %arg4: memref<128x128xf32, #tpu.memory_space<vmem>>, %arg5: memref<128x128xf32, #tpu.memory_space<vmem>>, %arg6: memref<512x128xf32, #tpu.memory_space<vmem>>) attributes {dimension_semantics = [#tpu.dimension_semantics<arbitrary>], iteration_bounds = array<i64: 20>, scalar_prefetch = 0 : i64, scratch_operands = 0 : i64, tpu.core_type = #tpu.core_type<tc>, window_params = [{transform_indices = @transform_0, window_bounds = array<i64: 2, 512, 128>}, {pipeline_mode = #tpu.pipeline_mode<synchronous>, transform_indices = @transform_1, window_bounds = array<i64: 20480>}, {transform_indices = @transform_2, window_bounds = array<i64: 512, 128>}, {pipeline_mode = #tpu.pipeline_mode<synchronous>, transform_indices = @transform_3, window_bounds = array<i64: 128, 128>}, {pipeline_mode = #tpu.pipeline_mode<synchronous>, transform_indices = @transform_4, window_bounds = array<i64: 128, 128>}, {transform_indices = @transform_5, window_bounds = array<i64: 512, 128>}]} {
    %get3A = arith.constant 0 : index
    %get3A_0 = arith.constant 0 : index
    %get3A_1 = arith.constant 0 : index
    %get3A_2 = vector.load %arg1[%get3A, %get3A_0, %get3A_1] : memref<2x512x128xf32, #tpu.memory_space<vmem>>, vector<1x512x128xf32>
    %get3A_3 = vector.shape_cast %get3A_2 : vector<1x512x128xf32> to vector<512x128xf32>
    %get3A_4 = arith.constant 1 : index
    %get3A_5 = arith.constant 0 : index
    %get3A_6 = arith.constant 0 : index
    %get3A_7 = vector.load %arg1[%get3A_4, %get3A_5, %get3A_6] : memref<2x512x128xf32, #tpu.memory_space<vmem>>, vector<1x512x128xf32>
    %get3A_8 = vector.shape_cast %get3A_7 : vector<1x512x128xf32> to vector<512x128xf32>
    %add3A = arith.addf %get3A_3, %get3A_8 : vector<512x128xf32>
    %mul3A = arith.constant 512 : i32
    %mul3A_9 = arith.muli %arg0, %mul3A : i32
    %get3A_10 = arith.index_cast %mul3A_9 : i32 to index
    %get3A_11 = vector.load %arg2[%get3A_10] : memref<20480xf32, #tpu.memory_space<vmem>>, vector<512xf32>
    %mul3A_12 = arith.constant 512 : i32
    %mul3A_13 = arith.muli %arg0, %mul3A_12 : i32
    %add3A_14 = arith.constant 10240 : i32
    %add3A_15 = arith.addi %add3A_14, %mul3A_13 : i32
    %get3A_16 = arith.index_cast %add3A_15 : i32 to index
    %get3A_17 = vector.load %arg2[%get3A_16] : memref<20480xf32, #tpu.memory_space<vmem>>, vector<512xf32>
    %add3A_18 = arith.addf %get3A_11, %get3A_17 : vector<512xf32>
    %max3A = arith.constant 1.000000e+00 : f32
    %max3A_19 = vector.broadcast %max3A : f32 to vector<512xf32>
    %max3A_20 = arith.maximumf %add3A_18, %max3A_19 : vector<512xf32>
    %reshape3A = vector.shape_cast %max3A_20 : vector<512xf32> to vector<512x1xf32>
    %div3A = vector.broadcast %reshape3A : vector<512x1xf32> to vector<512x128xf32>
    %div3A_21 = arith.divf %add3A, %div3A : vector<512x128xf32>
    %get3A_22 = arith.constant 0 : index
    %get3A_23 = arith.constant 0 : index
    %get3A_24 = vector.load %arg4[%get3A_22, %get3A_23] : memref<128x128xf32, #tpu.memory_space<vmem>>, vector<128x128xf32>
    %dot_general3A = arith.constant dense<0.000000e+00> : vector<512x128xf32>
    %dot_general3A_25 = tpu.matmul %div3A_21, %get3A_24, %dot_general3A {dimension_numbers = #tpu.dot_dimension_numbers<[1], [1], [0], [0], [0, 0, 1, 0], [], []>, precision = #tpu.contract_precision<fp32>, transpose_lhs_hint = false} : vector<512x128xf32>, vector<128x128xf32>, vector<512x128xf32> -> vector<512x128xf32>
    %get3A_26 = arith.constant 0 : index
    %get3A_27 = arith.constant 0 : index
    %get3A_28 = vector.load %arg3[%get3A_26, %get3A_27] : memref<512x128xf32, #tpu.memory_space<vmem>>, vector<512x128xf32>
    %get3A_29 = arith.constant 0 : index
    %get3A_30 = arith.constant 0 : index
    %get3A_31 = vector.load %arg5[%get3A_29, %get3A_30] : memref<128x128xf32, #tpu.memory_space<vmem>>, vector<128x128xf32>
    %dot_general3A_32 = arith.constant dense<0.000000e+00> : vector<512x128xf32>
    %dot_general3A_33 = tpu.matmul %get3A_28, %get3A_31, %dot_general3A_32 {dimension_numbers = #tpu.dot_dimension_numbers<[1], [1], [0], [0], [0, 0, 1, 0], [], []>, precision = #tpu.contract_precision<fp32>, transpose_lhs_hint = false} : vector<512x128xf32>, vector<128x128xf32>, vector<512x128xf32> -> vector<512x128xf32>
    %add3A_34 = arith.addf %dot_general3A_25, %dot_general3A_33 : vector<512x128xf32>
    %swap3A = arith.constant 0 : index
    %swap3A_35 = arith.constant 0 : index
    %swap3A_36 = vector.load %arg6[%swap3A, %swap3A_35] : memref<512x128xf32, #tpu.memory_space<vmem>>, vector<512x128xf32>
    tpu.vector_store %arg6[%swap3A, %swap3A_35], %add3A_34 {strides = array<i32>} : memref<512x128xf32, #tpu.memory_space<vmem>>, vector<512x128xf32>,
    return
  }
  func.func @transform_0(%arg0: i32) -> (i32, i32, i32) {
    %c0_i32 = arith.constant 0 : i32
    %c0_i32_0 = arith.constant 0 : i32
    %c0_i32_1 = arith.constant 0 : i32
    return %c0_i32, %arg0, %c0_i32_0 : i32, i32, i32
  }
  func.func @transform_1(%arg0: i32) -> i32 {
    %c0_i32 = arith.constant 0 : i32
    %c0_i32_0 = arith.constant 0 : i32
    return %c0_i32 : i32
  }
  func.func @transform_2(%arg0: i32) -> (i32, i32) {
    %c0_i32 = arith.constant 0 : i32
    %c0_i32_0 = arith.constant 0 : i32
    return %arg0, %c0_i32 : i32, i32
  }
  func.func @transform_3(%arg0: i32) -> (i32, i32) {
    %c0_i32 = arith.constant 0 : i32
    %c0_i32_0 = arith.constant 0 : i32
    %c0_i32_1 = arith.constant 0 : i32
    return %c0_i32, %c0_i32_0 : i32, i32
  }
  func.func @transform_4(%arg0: i32) -> (i32, i32) {
    %c0_i32 = arith.constant 0 : i32
    %c0_i32_0 = arith.constant 0 : i32
    %c0_i32_1 = arith.constant 0 : i32
    return %c0_i32, %c0_i32_0 : i32, i32
  }
  func.func @transform_5(%arg0: i32) -> (i32, i32) {
    %c0_i32 = arith.constant 0 : i32
    %c0_i32_0 = arith.constant 0 : i32
    return %arg0, %c0_i32 : i32, i32
  }
}

</mosaic_0001>

<sc_bundles>
// kernel: kernel.4.cloned.1.call-start
scs
__scs_entry_jumppad:
0x0: {  	(pc) =	sbr.rel $0x88, $3  }
0x1: {  	(tag) =	ssettag $0x0;
	lr =	simm.s32 $0x1  }
0x2: {  	[smem:$0x3F9D] =	sst lr;
	_ =	strace $0xD0000000  }
0x3: {  	_ = 	snop  }
0x4: {  	_ = 	snop  }
0x5: {  	_ = 	snop  }
0x6: {  	_ = 	snop  }
0x7: {  	_ = 	snop  }
__scs_overlays_trampoline_lowered:
0x8: {  	[smem:$0x3FAC] =	sst s0  }
0x9: {  	[smem:$0x3FAD] =	sst s1  }
0xa: {  	[smem:$0x3FAE] =	sst s2  }
0xb: {  	[smem:$0x3FAF] =	sst s3  }
0xc: {  	[smem:$0x3FB0] =	sst s4  }
0xd: {  	[smem:$0x3FB1] =	sst s5  }
0xe: {  	[smem:$0x3FB2] =	sst s6  }
0xf: {  	[smem:$0x3FB3] =	sst s7  }
0x10: {  	[smem:$0x3FB4] =	sst s8  }
0x11: {  	[smem:$0x3FB5] =	sst s9;
	s0 =	simm.s32 @!p0 $0x0  }
0x12: {  	s1 =	sld [smem:$0x3F9B];
	s0 =	simm.s32 @p0 $0x1  }
0x13: {  	[smem:$0x3FB6] =	sst s0;
	s0 =	simm.s32 @!p1 $0x0  }
0x14: {  	s2 =	sld [smem:$0x3F9A];
	s0 =	simm.s32 @p1 $0x1  }
0x15: {  	[smem:$0x3FB7] =	sst s0;
	s0 =	simm.s32 @!p2 $0x0  }
0x16: {  	s3 =	sld [smem:$0x3FDB];
	s0 =	simm.s32 @p2 $0x1  }
0x17: {  	s4 =	simm.s32 $0x1BF5;
	[smem:$0x3FB9] =	sst s0  }
0x18: {  	s0 =	sld [smem:$0x3F9C];
	_ =	swait.ge [sflag:s4], $0x0  }
0x19: {  	s7 =	sld [smem:$0x3F9D]  }
0x1a: {  	s8 =	sadd.s32 $0xFFFFE003, lr  }
0x1b: {  	s9 =	sadd.s32 $0xFFFFFEF7, lr;
	s5 =	simm.s32 $0xFFFFFFFF;
	p2 =	slt.u32 s8, $0xFFFFF086  }
0x1c: {  	p1 =	slt.u32 s9, $0xF7A;
	s5 =	simm.s32 @!p2 $0x0  }
0x1d: {  	s5 =	simm.s32 @p1 $0x1;
	p0 =	seq.s32 s7, s2  }
0x1e: {  	s7 =	smul.u32 @!p0 $0xF7A, s2;
	p2 =	seq.s32 @!p0 s5, $0x0  }
0x1f: {  	s9 =	smul.u32 $0xF7A, s1;
	s8 =	simm.s32 @!p0 $0x1BF5;
	p2 =	por !p2, p0  }
0x20: {  	[sflag:s8] =	ssyncset.s32 @!p0 $0xFFFFF086;
	s6 =	sadd.s32 @!p0 s3, s7;
	s7 =	simm.s32 @!p0 $0x108  }
0x21: {  	s3 =	sadd.s32 s3, s9;
	s6 =	sadd.s32 @!p0 $0x88, s6;
	s7 =	simm.s32 @p2 $0x1082  }
0x22: {  	[simem:s7], [sflag:s8] =	dma.local @!p0 [hbm:s6], $0xF7A  }
0x23: {  	s9 =	sor.u32 $0xD0000000, s2;
	s6 =	simm.s32 $0x108;
	_ =	swait.ge @!p0 [sflag:s8], $0x0  }
0x24: {  	s3 =	sadd.s32 $0x88, s3;
	s6 =	simm.s32 @!p1 $0x1082;
	[sflag:s4] =	ssyncset.s32 $0xFFFFF086  }
0x25: {  	[simem:s6], [sflag:s4] =	dma.local [hbm:s3], $0xF7A  }
0x26: {  	[smem:$0x3F9D] =	sst s1;
	(tag) =	ssettag s2;
	_ =	strace s9  }
0x27: {  	s1 =	sld [smem:$0x3FAD]  }
0x28: {  	s2 =	sld [smem:$0x3FAE]  }
0x29: {  	s4 =	sld [smem:$0x3FB0]  }
0x2a: {  	p0 =	seq.s32 s5, $0x0;
	s5 =	sld [smem:$0x3FB1]  }
0x2b: {  	s6 =	sld [smem:$0x3FB2]  }
0x2c: {  	s7 =	sld [smem:$0x3FB3]  }
0x2d: {  	s3 =	simm.s32 $0x108;
	s8 =	sld [smem:$0x3FB4]  }
0x2e: {  	s3 =	simm.s32 @!p0 $0x1082;
	s9 =	sld [smem:$0x3FB5]  }
0x2f: {  	lr =	sadd.s32 s0, s3;
	s0 =	sld [smem:$0x3FAC]  }
0x30: {  	s3 =	sld [smem:$0x3FAF]  }
0x31: {  	[smem:$0x3FB8] =	sst s10  }
0x32: {  	s10 =	sld [smem:$0x3FB6];
	_ =	sdelay $0x3  }
0x33: {  	p0 =	seq.s32 s10, $0x1;
	s10 =	sld [smem:$0x3FB8];
	_ =	sdelay $0x3  }
0x34: {  	[smem:$0x3FB8] =	sst s10  }
0x35: {  	s10 =	sld [smem:$0x3FB7];
	_ =	sdelay $0x3  }
0x36: {  	p1 =	seq.s32 s10, $0x1;
	s10 =	sld [smem:$0x3FB8];
	_ =	sdelay $0x3  }
0x37: {  	[smem:$0x3FB8] =	sst s10  }
0x38: {  	s10 =	sld [smem:$0x3FB9]  }
0x39: {  	_ = 	snop;
	(pc) =	sbr.ind lr, $3  }
0x3a: {  	_ = 	snop  }
0x3b: {  	_ = 	snop  }
0x3c: {  	p2 =	seq.s32 s10, $0x1;
	s10 =	sld [smem:$0x3FB8]  }
0x3d: {  	_ =	shalt  }
0x3e: {  	_ =	shalt  }
0x3f: {  	_ =	shalt  }
0x40: {  	_ =	shalt  }
0x41: {  	_ =	shalt  }
0x42: {  	_ =	shalt  }
0x43: {  	_ =	shalt  }
0x44: {  	_ =	shalt  }
0x45: {  	_ =	shalt  }
0x46: {  	_ =	shalt  }
0x47: {  	_ =	shalt  }
0x48: {  	_ =	shalt  }
0x49: {  	_ =	shalt  }
0x4a: {  	_ =	shalt  }
0x4b: {  	_ =	shalt  }
0x4c: {  	_ =	shalt  }
0x4d: {  	_ =	shalt  }
0x4e: {  	_ =	shalt  }
0x4f: {  	_ =	shalt  }
0x50: {  	_ =	shalt  }
0x51: {  	_ =	shalt  }
0x52: {  	_ =	shalt  }
0x53: {  	_ =	shalt  }
0x54: {  	_ =	shalt  }
0x55: {  	_ =	shalt  }
0x56: {  	_ =	shalt  }
0x57: {  	_ =	shalt  }
0x58: {  	_ =	shalt  }
0x59: {  	_ =	shalt  }
0x5a: {  	_ =	shalt  }
0x5b: {  	_ =	shalt  }
0x5c: {  	_ =	shalt  }
0x5d: {  	_ =	shalt  }
0x5e: {  	_ =	shalt  }
0x5f: {  	_ =	shalt  }
0x60: {  	_ =	shalt  }
0x61: {  	_ =	shalt  }
0x62: {  	_ =	shalt  }
0x63: {  	_ =	shalt  }
0x64: {  	_ =	shalt  }
0x65: {  	_ =	shalt  }
0x66: {  	_ =	shalt  }
0x67: {  	_ =	shalt  }
0x68: {  	_ =	shalt  }
0x69: {  	_ =	shalt  }
0x6a: {  	_ =	shalt  }
0x6b: {  	_ =	shalt  }
0x6c: {  	_ =	shalt  }
0x6d: {  	_ =	shalt  }
0x6e: {  	_ =	shalt  }
0x6f: {  	_ =	shalt  }
0x70: {  	_ =	shalt  }
0x71: {  	_ =	shalt  }
0x72: {  	_ =	shalt  }
0x73: {  	_ =	shalt  }
0x74: {  	_ =	shalt  }
0x75: {  	_ =	shalt  }
0x76: {  	_ =	shalt  }
0x77: {  	_ =	shalt  }
0x78: {  	_ =	shalt  }
0x79: {  	_ =	shalt  }
0x7a: {  	_ =	shalt  }
0x7b: {  	_ =	shalt  }
0x7c: {  	_ =	shalt  }
0x7d: {  	_ =	shalt  }
0x7e: {  	_ =	shalt  }
0x7f: {  	_ =	shalt  }
0x80: {  	_ =	shalt  }
0x81: {  	_ =	shalt  }
0x82: {  	_ =	shalt  }
0x83: {  	_ =	shalt  }
0x84: {  	_ =	shalt  }
0x85: {  	_ =	shalt  }
0x86: {  	_ =	shalt  }
0x87: {  	_ =	shalt  }
.Lfunc_end0:
.L_simem_size_0:
called_computation_lowered:
.L_overlay_start_0:
0x88: {  	s2 =	sld [smem:$0x3FD9]  }
0x89: {  	s3 =	sld [smem:$0x3FFE];
	_ =	sdelay $0x1  }
0x8a: {  	s1 =	srdreg.scid  }
0x8b: {  	s0 =	sand.u32 $0x1, s1  }
0x8c: {  	s17 =	sshll.u32 s0, $0xA;
	s2 =	sadd.s32 s3, s2  }
0x8d: {  	s2 =	sadd.s32 s2, s17  }
0x8e: {  	[smem:$0x3FC4] =	sst s2  }
0x8f: {  	_ = 	snop  }
0x90: {  	s2 =	sld [smem:$0x3FC9]  }
0x91: {  	s18 =	sld [smem:$0x3FD0];
	(tm) =	ssettm $0x1  }
0x92: {  	s4 =	sld [smem:$0x3FFB];
	_ =	sdelay $0x3  }
0x93: {  	_ =	strace s4  }
0x94: {  	s4 =	sld [smem:$0x3FFC];
	_ =	sdelay $0x3  }
0x95: {  	_ =	strace s4  }
0x96: {  	s4 =	sld [smem:$0x3FFD];
	_ =	sdelay $0x3  }
0x97: {  	_ =	strace s4  }
0x98: {  	_ =	strace $0x8FFFFFFF  }
0x99: {  	s19 =	sld [smem:$0x3FDB];
	_ =	sdelay $0x1  }
0x9a: {  	s5 =	simm.s32 $_scs_section_size  }
0x9b: {  	s6 =	simm.s32 $_size__tile_overlayer_lowered;
	s7 =	simm.s32 $_tile_overlayer_lowered  }
0x9c: {  	s22 =	simm.s32 $0x1BFF;
	s21 =	sshll.u32 s7, $0x1;
	s4 =	sadd.s32 s5, s19  }
0x9d: {  	s8 =	simm.s32 $0x0;
	s20 =	sshll.u32 s6, $0x1;
	s6 =	sadd.s32 s21, s4  }
0x9e: {  	[timem:s8], [sflag:s22] =	dma.local [hbm:s6], s20  }
0x9f: {  	_ =	swait.ge [sflag:s22], s20  }
0xa0: {  	s5 =	ssub.s32 $0x0, s20;
	[sflag:s22] =	ssyncset.done $0x0  }
0xa1: {  	[sflag:s22] =	ssyncadd.s32 s5;
	_ =	sdelay $0x1  }
0xa2: {  	s23 =	simm.s32 $0x1B8B  }
0xa3: {  	_ =	swait.ge [sflag:s23], $0x1  }
0xa4: {  	[sflag:s23] =	ssyncset.done $0x0  }
0xa5: {  	s25 =	simm.s32 $0x1B8E;
	s24 =	sld [smem:$0x3FFE];
	[sflag:s23] =	ssyncadd.s32 $0xFFFFFFFF  }
0xa6: {  	s26 =	simm.s32 $execute0_lowered;
	[smem:$0x3FD2] =	sst s25  }
0xa7: {  	s6 =	sshll.u32 s26, $0x1;
	_ =	strace $0x80000046;
	[dreg:$0x1] =	wrdreg $0xFFFFFFFF  }
0xa8: {  	s28 =	simm.s32 $_size_execute0_lowered;
	s4 =	sadd.s32 s4, s6;
	[dreg:$0x0] =	wrdreg $0x0  }
0xa9: {  	s6 =	sshll.u32 s28, $0x1;
	[dreg:$0x2] =	wrdreg s4  }
0xaa: {  	[dreg:$0x3] =	wrdreg s6  }
0xab: {  	[dreg:$0x4] =	wrdreg $0xC0  }
0xac: {  	_ =	task [dreg:s8], $0x5FFFF  }
0xad: {  	[dreg:$0x1] =	wrdreg $0xFFFFFFFF  }
0xae: {  	[dreg:$0x0] =	wrdreg $0x60  }
0xaf: {  	[dreg:$0x2] =	wrdreg s2  }
0xb0: {  	[dreg:$0x3] =	wrdreg s18  }
0xb1: {  	[dreg:$0x4] =	wrdreg s24  }
0xb2: {  	[dreg:$0x5] =	wrdreg $0xAB000  }
0xb3: {  	[dreg:$0x6] =	wrdreg $0x1E7000  }
0xb4: {  	[dreg:$0x7] =	wrdreg $0x9  }
0xb5: {  	_ =	task.clear_ibuf [dreg:s8], $0x8FFFF;
	_ =	strace $0x90000046  }
0xb6: {  	s29 =	simm.s32 $0x9;
	_ =	strace $0x80000048  }
0xb7: {  	_ =	swait.ge [sflag:s29], $0x1  }
0xb8: {  	[sflag:s29] =	ssyncadd.s32 $0xFFFFFFFF  }
0xb9: {  	_ =	strace $0x90000048  }
0xba: {  	_ =	sfence  }
0xbb: {  	s30 =	sld [smem:$0x0];
	_ =	sdelay $0x2  }
0xbc: {  	s31 =	sshll.u32 s1, $0xD;
	s1 =	sshrl.u32 s1, $0x2  }
0xbd: {  	s3 =	sand.u32 $0x4000, s31;
	s1 =	sadd.s32 s1, s30  }
0xbe: {  	s0 =	sor.u32 s3, s0;
	s1 =	sshll.u32 s1, $0x11  }
0xbf: {  	s0 =	sor.u32 s1, s0  }
0xc0: {  	s0 =	sadd.s32 $0x8F2B, s0  }
0xc1: {  	[sflag:s0] =	ssyncadd.remote.s32 $0x1  }
0xc2: {  	_ =	sfence.sel $0xFFFF  }
0xc3: {  	[dreg:$0x0] =	wrdreg $0xFFFFFFFF;
	(pc) =	sbr.abs _section_cstart, $3  }
0xc4: {  	[dreg:$0x1] =	wrdreg $0xFFFFFFFF  }
0xc5: {  	_ =	task.clear_ibuf [dreg:s8], $0x2FFFF;
	_ =	strace $0x9FFFFFFF  }
0xc6: {  	(tm) =	ssettm $0x7FFFFFFF  }
0xc7: {  	_ =	shalt  }
tec
execute0_lowered:
.L_overlay_start_1:
0x0: {  	(tag) =	ssettag $0x1  }
0x1: {  	s1 =	rddreg [dreg:$0x0]  }
0x2: {  	s10 =	rddreg [dreg:$0x1]  }
0x3: {  	s7 =	rddreg [dreg:$0x2]  }
0x4: {  	s3 =	rddreg [dreg:$0x3]  }
0x5: {  	s0 =	srdreg.scid;
	s4 =	rddreg [dreg:$0x4]  }
0x6: {  	s5 =	simm.s32 $0x0;
	s18 =	simm.s32 $0x6800;
	s9 =	sand.u32 $0x1, s0  }
0x7: {  	s19 =	simm.s32 $0x1;
	s0 =	stileid.u32;
	s6 =	smul.u32 $0x13C000, s9  }
0x8: {  	s20 =	simm.s32 $0xA880;
	s21 =	simm.s32 $0x80;
	s8 =	smul.u32 $0x13C00, s0  }
0x9: {  	s22 =	simm.s32 $0xA800;
	s23 =	simm.s32 $0x0;
	s12 =	smul.u32 $0x280, s0  }
0xa: {  	[smem:$0x7FF] =	sst s5;
	s2 =	sshll.u32 s9, $0x4;
	s26 =	smul.u32 $0x2800, s9  }
0xb: {  	s13 =	smul.u32 $0x4F000, s0;
	s29 =	ssub.s32 $0x2, s9;
	p0 =	seq.s32 s9, $0x0  }
0xc: {  	s9 =	simm.s32 $0x62;
	s2 =	sor.u32 s0, s2;
	s17 =	sshrl.u32 s29, $0x1  }
0xd: {  	s9 =	simm.s32 @!p0 $0x3C;
	s11 =	smul.u32 $0x680, s2;
	s2 =	rddreg [dreg:$0x5]  }
0xe: {  	s6 =	sadd.s32 s8, s6;
	_ =	strace $0x80000047;
	s28 =	sadd.s32 s12, s26  }
0xf: {  	s13 =	sshrl.u32 s13, $0x2;
	s31 =	ssub.s32 s29, s17;
	s8 =	sadd.s32 s12, s4  }
0x10: {  	s6 =	sshrl.u32 s6, $0x3;
	s16 =	sshrl.u32 s28, $0x3;
	s14 =	sadd.s32 s11, s7  }
0x11: {  	s15 =	sadd.s32 s6, s7;
	s6 =	sadd.s32 s13, s3;
	s30 =	sadd.s32 s16, s7  }
0x12: {  	s10 =	sadd.s32 s10, s11;
	s7 =	sadd.s32 $0x10000, s6;
	s11 =	sadd.s32 $0xA00, s14  }
0x13: {  	s12 =	sadd.s32 $0xDA00, s15;
	s13 =	sadd.s32 $0x5CA00, s30;
	s14 =	smax.u32 s31, $0x1  }
0x14: {  	v0 =	vimm.f32 $0.0e+00;
	v1 =	vimm.f32 $1.000000000e+00;
	s15 =	sadd.s32 $0x4000, s6;
	s16 =	sadd.s32 $0x8000, s6;
	s17 =	sadd.s32 $0xC000, s6  }
.LBB2_1:
0x15: {  	s24 =	simm.s32 $0x0;
	s25 =	simm.s32 $0x200  }
.LBB2_2:
0x16: {  	p0 =	sne.s32 s25, $0xFE00;
	[tilespmem:s24+$0x6870] =	vst v0  }
0x17: {  	[tilespmem:s24+$0x6800] =	vst v0  }
0x18: {  	[tilespmem:s24+$0x6810] =	vst v0  }
.Ltmp0:
0x19: {  	[tilespmem:s24+$0x6820] =	vst v0;
	(pc) =	sbr.rel @p0 .LBB2_2-.Ltmp0, $4  }
0x1a: {  	[tilespmem:s24+$0x6830] =	vst v0  }
0x1b: {  	[tilespmem:s24+$0x6840] =	vst v0  }
0x1c: {  	[tilespmem:s24+$0x6850] =	vst v0  }
0x1d: {  	[tilespmem:s24+$0x6860] =	vst v0;
	s24 =	sshra.s32 s25, $0x2;
	s25 =	sadd.s32 $0x200, s25  }
0x1e: {  	[tilespmem:s24+$0x6870] =	vst v0  }
0x1f: {  	[tilespmem:s24+$0x6800] =	vst v0  }
0x20: {  	[tilespmem:s24+$0x6810] =	vst v0  }
0x21: {  	[tilespmem:s24+$0x6820] =	vst v0  }
0x22: {  	[tilespmem:s24+$0x6830] =	vst v0  }
0x23: {  	[tilespmem:s24+$0x6840] =	vst v0  }
0x24: {  	[tilespmem:s24+$0x6850] =	vst v0  }
0x25: {  	[tilespmem:s24+$0x6860] =	vst v0  }
0x26: {  	[tilespmem:$0xA880] =	vst v0  }
0x27: {  	[tilespmem:$0xA890] =	vst v0  }
0x28: {  	[tilespmem:$0xA8A0] =	vst v0  }
0x29: {  	[tilespmem:$0xA8B0] =	vst v0  }
0x2a: {  	[tilespmem:$0xA8C0] =	vst v0  }
0x2b: {  	[tilespmem:$0xA8D0] =	vst v0  }
0x2c: {  	[tilespmem:$0xA8E0] =	vst v0  }
0x2d: {  	[tilespmem:$0xA8F0] =	vst v0  }
0x2e: {  	[tilespmem:$0xA900] =	vst v0  }
0x2f: {  	[tilespmem:$0xA910] =	vst v0  }
0x30: {  	[tilespmem:$0xA920] =	vst v0  }
0x31: {  	[tilespmem:$0xA930] =	vst v0  }
0x32: {  	[tilespmem:$0xA940] =	vst v0  }
0x33: {  	[tilespmem:$0xA950] =	vst v0  }
0x34: {  	[tilespmem:$0xA960] =	vst v0  }
0x35: {  	[tilespmem:$0xA970] =	vst v0  }
0x36: {  	[tilespmem:$0xA980] =	vst v0  }
0x37: {  	[tilespmem:$0xA990] =	vst v0  }
0x38: {  	[tilespmem:$0xA9A0] =	vst v0  }
0x39: {  	[tilespmem:$0xA9B0] =	vst v0  }
0x3a: {  	[tilespmem:$0xA9C0] =	vst v0  }
0x3b: {  	[tilespmem:$0xA9D0] =	vst v0  }
0x3c: {  	[tilespmem:$0xA9E0] =	vst v0  }
0x3d: {  	[tilespmem:$0xA9F0] =	vst v0  }
0x3e: {  	[tilespmem:$0xAA00] =	vst v0  }
0x3f: {  	[tilespmem:$0xAA10] =	vst v0  }
0x40: {  	[tilespmem:$0xAA20] =	vst v0  }
0x41: {  	[tilespmem:$0xAA30] =	vst v0  }
0x42: {  	[tilespmem:$0xAA40] =	vst v0  }
0x43: {  	[tilespmem:$0xAA50] =	vst v0  }
0x44: {  	[tilespmem:$0xAA60] =	vst v0  }
0x45: {  	[tilespmem:$0xAA70] =	vst v0  }
0x46: {  	[tilespmem:$0xAA80] =	vst v0  }
0x47: {  	[tilespmem:$0xAA90] =	vst v0  }
0x48: {  	[tilespmem:$0xAAA0] =	vst v0  }
0x49: {  	[tilespmem:$0xAAB0] =	vst v0  }
0x4a: {  	[tilespmem:$0xAAC0] =	vst v0  }
0x4b: {  	[tilespmem:$0xAAD0] =	vst v0  }
0x4c: {  	[tilespmem:$0xAAE0] =	vst v0  }
0x4d: {  	[tilespmem:$0xAAF0] =	vst v0  }
0x4e: {  	[tilespmem:$0xA800] =	vst v1  }
0x4f: {  	[tilespmem:$0xA810] =	vst v1  }
0x50: {  	[tilespmem:$0xA820] =	vst v1  }
0x51: {  	[tilespmem:$0xA830] =	vst v1  }
0x52: {  	[tilespmem:$0xA840] =	vst v1  }
0x53: {  	[tilespmem:$0xA850] =	vst v1  }
0x54: {  	[tilespmem:$0xA860] =	vst v1  }
0x55: {  	[tilespmem:$0xA870] =	vst v1  }
0x56: {  	[spmem:s6] =	stream.linear.scatter [tilespmem:s18], [sflag:$0x1], $0x4000, $0x38;
	[tilespmem:$0x1E980] =	vst v63  }
0x57: {  	_ =	swait.ge [sflag:s19], $0x4000  }
0x58: {  	[sflag:s19] =	ssyncset.done $0x0  }
0x59: {  	[sflag:s19] =	ssyncadd.s32 $0xFFFFC000  }
0x5a: {  	[spmem:s15] =	stream.linear.scatter [tilespmem:s18], [sflag:$0x1], $0x4000, $0x38;
	[tilespmem:$0x1E980] =	vst v63  }
0x5b: {  	_ =	swait.ge [sflag:s19], $0x4000  }
0x5c: {  	[sflag:s19] =	ssyncset.done $0x0  }
0x5d: {  	[sflag:s19] =	ssyncadd.s32 $0xFFFFC000  }
0x5e: {  	[spmem:s16] =	stream.linear.scatter [tilespmem:s18], [sflag:$0x1], $0x4000, $0x38;
	[tilespmem:$0x1E980] =	vst v63  }
0x5f: {  	_ =	swait.ge [sflag:s19], $0x4000  }
0x60: {  	[sflag:s19] =	ssyncset.done $0x0  }
0x61: {  	[sflag:s19] =	ssyncadd.s32 $0xFFFFC000  }
0x62: {  	[spmem:s17] =	stream.linear.scatter [tilespmem:s18], [sflag:$0x1], $0x4000, $0x38;
	[tilespmem:$0x1E980] =	vst v63  }
0x63: {  	_ =	swait.ge [sflag:s19], $0x4000  }
0x64: {  	[sflag:s19] =	ssyncset.done $0x0  }
0x65: {  	[sflag:s19] =	ssyncadd.s32 $0xFFFFC000  }
0x66: {  	[spmem:s7] =	stream.linear.scatter [tilespmem:s18], [sflag:$0x1], $0x3C00, $0x38;
	[tilespmem:$0x1E980] =	vst v63  }
0x67: {  	_ =	swait.ge [sflag:s19], $0x3C00  }
0x68: {  	[sflag:s19] =	ssyncset.done $0x0  }
0x69: {  	[sflag:s19] =	ssyncadd.s32 $0xFFFFC400  }
0x6a: {  	[spmem:s8] =	stream.linear.scatter [tilespmem:s20], [sflag:$0x1], $0x280, $0x38;
	[tilespmem:$0x1E980] =	vst v63  }
0x6b: {  	_ =	swait.ge [sflag:s19], $0x280  }
0x6c: {  	[sflag:s19] =	ssyncset.done $0x0  }
0x6d: {  	s24 =	simm.s32 $0x0;
	[sflag:s19] =	ssyncadd.s32 $0xFFFFFD80  }
0x6e: {  	[tilespmem:s24], [sflag:$0x1] =	stream.linear.gather [hbm4b:s10+s24], $0x3100, $0x38;
	[tilespmem:$0x1E980] =	vst v63  }
0x6f: {  	_ =	swait.ge [sflag:s19], $0x3100  }
0x70: {  	[sflag:s19] =	ssyncset.done $0x0  }
0x71: {  	s25 =	simm.s32 $0x3400;
	[sflag:s19] =	ssyncadd.s32 $0xFFFFCF00  }
0x72: {  	[tilespmem:s25], [sflag:$0x1] =	stream.linear.gather [hbm4b:s11+s24], $0x3100, $0x38;
	[tilespmem:$0x1E980] =	vst v63  }
0x73: {  	_ =	swait.ge [sflag:s19], $0x3100  }
0x74: {  	[sflag:s19] =	ssyncset.done $0x0  }
0x75: {  	[sflag:s19] =	ssyncadd.s32 $0xFFFFCF00  }
0x76: {  	[bflag:$0x0] =	sbarrier.arrive $0xFFFF  }
0x77: {  	[tilespmem:s18], [sflag:$0x1] =	stream.indirect.gather [hbm4b:s1+s21], $0x80, s24, s21, $0xb8;
	[tilespmem:$0x1E980] =	vst v63  }
0x78: {  	_ =	swait.ge [sflag:s19], $0x4000  }
0x79: {  	[sflag:s19] =	ssyncset.done $0x0  }
0x7a: {  	[sflag:s19] =	ssyncadd.s32 $0xFFFFC000  }
0x7b: {  	[spmem:s3] =	stream.indirect.scatter.add.f32 [tilespmem:s18], [sflag:$0x1], $0x80, s25, s21, $0xb8;
	[tilespmem:$0x1E980] =	vst v63  }
0x7c: {  	p0 =	sne.s32 s9, $0x1;
	_ =	swait.ge [sflag:s19], $0x4000  }
.Ltmp1:
0x7d: {  	[sflag:s19] =	ssyncset.done $0x0;
	(pc) =	sbr.rel @!p0 .LBB2_5-.Ltmp1, $4  }
0x7e: {  	[sflag:s19] =	ssyncadd.s32 $0xFFFFC000  }
0x7f: {  	[spmem:s4] =	stream.indirect.scatter.add.f32 [tilespmem:s22], [sflag:$0x1], $0x1, s25, s21, $0xb8;
	[tilespmem:$0x1E980] =	vst v63  }
0x80: {  	_ =	swait.ge [sflag:s19], $0x80  }
0x81: {  	s26 =	sadd.s32 $0xFFFFFFFF, s9;
	[sflag:s19] =	ssyncset.done $0x0  }
.LBB2_4:
0x82: {  	[sflag:s19] =	ssyncadd.s32 $0xFFFFFF80;
	s24 =	sadd.s32 $0x80, s24;
	s25 =	sadd.s32 $0x80, s25  }
0x83: {  	[tilespmem:s18], [sflag:$0x1] =	stream.indirect.gather [hbm4b:s1+s21], $0x80, s24, s21, $0xb8;
	[tilespmem:$0x1E980] =	vst v63  }
0x84: {  	p0 =	sne.s32 s26, $0x1;
	s26 =	sadd.s32 $0xFFFFFFFF, s26;
	_ =	swait.ge [sflag:s19], $0x4000  }
0x85: {  	[sflag:s19] =	ssyncset.done $0x0  }
0x86: {  	[sflag:s19] =	ssyncadd.s32 $0xFFFFC000  }
0x87: {  	[spmem:s3] =	stream.indirect.scatter.add.f32 [tilespmem:s18], [sflag:$0x1], $0x80, s25, s21, $0xb8;
	[tilespmem:$0x1E980] =	vst v63  }
0x88: {  	_ =	swait.ge [sflag:s19], $0x4000  }
.Ltmp2:
0x89: {  	[sflag:s19] =	ssyncset.done $0x0;
	(pc) =	sbr.rel @p0 .LBB2_4-.Ltmp2, $4  }
0x8a: {  	[sflag:s19] =	ssyncadd.s32 $0xFFFFC000  }
0x8b: {  	[spmem:s4] =	stream.indirect.scatter.add.f32 [tilespmem:s22], [sflag:$0x1], $0x1, s25, s21, $0xb8;
	[tilespmem:$0x1E980] =	vst v63  }
0x8c: {  	_ =	swait.ge [sflag:s19], $0x80  }
0x8d: {  	[sflag:s19] =	ssyncset.done $0x0  }
.LBB2_5:
0x8e: {  	[sflag:s19] =	ssyncadd.s32 $0xFFFFFF80;
	s24 =	sshll.u32 s0, $0x6  }
0x8f: {  	s25 =	sshrl.u32 s6, $0x3;
	[bflag:$0x0] =	sbarrier.arrive $0xFFFF;
	s24 =	sor.u32 $0x1C01, s24  }
0x90: {  	[hbm:s12], [sflag:s24] =	dma.local [spmem:s25], $0x2780  }
0x91: {  	_ =	swait.ge [sflag:s19], $0x2780  }
0x92: {  	[sflag:s19] =	ssyncset.done $0x0  }
0x93: {  	[sflag:s19] =	ssyncadd.s32 $0xFFFFD880  }
0x94: {  	[tilespmem:s20], [sflag:$0x1] =	stream.linear.gather [spmem:s8], $0x280, $0x38;
	[tilespmem:$0x1E980] =	vst v63  }
0x95: {  	s23 =	sadd.s32 $0x1, s23;
	_ =	swait.ge [sflag:s19], $0x280  }
0x96: {  	p0 =	sne.s32 s23, s14;
	[sflag:s19] =	ssyncset.done $0x0  }
.Ltmp3:
0x97: {  	[sflag:s19] =	ssyncadd.s32 $0xFFFFFD80;
	(pc) =	sbr.rel @p0 .LBB2_1-.Ltmp3, $4  }
0x98: {  	[hbm4b:s13+s5] =	stream.linear.scatter [tilespmem:s20], [sflag:$0x1], $0x280, $0x38;
	[tilespmem:$0x1E980] =	vst v63  }
0x99: {  	_ =	swait.ge [sflag:s19], $0x280  }
0x9a: {  	[sflag:s19] =	ssyncset.done $0x0  }
0x9b: {  	[sflag:s19] =	ssyncadd.s32 $0xFFFFFD80  }
0x9c: {  	_ =	sfence.sel $0x180000  }
0x9d: {  	[bflag:$0x0] =	sbarrier.arrive $0xFFFF  }
0x9e: {  	p0 =	sne.s32 s0, $0x0;
	_ =	strace $0x90000047  }
0x9f: {  	s0 =	sadd.s32 @!p0 $0x100000, s2;
	[bflag:$0x2] =	sbarrier.arrive $0xFFFF  }
0xa0: {  	[sflag:s0] =	ssyncadd.tile.s32 @!p0 $0x1;
	_ =	shalt  }
.Lfunc_end2:
_tile_overlayer_lowered:
.L_overlay_start_2:
0xa1: {  	(tag) =	ssettag $0x2  }
0xa2: {  	s0 =	rddreg [dreg:$0x0];
	s2 =	stileid.u32  }
0xa3: {  	s1 =	rddreg [dreg:$0x1];
	p0 =	sne.s32 s2, $0x0  }
0xa4: {  	s3 =	rddreg [dreg:$0x2];
	[bflag:$0x3] =	sbarrier.arrive $0xFFFF;
	s2 =	simm.s32 @!p0 $0x1C01  }
0xa5: {  	[timem:s3], [sflag:s2] =	dma.local @!p0 [hbm:s0], s1  }
0xa6: {  	s0 =	simm.s32 @!p0 $0x1  }
0xa7: {  	_ =	swait.ge @!p0 [sflag:s0], s1  }
0xa8: {  	s1 =	ssub.s32 @!p0 $0x0, s1;
	[sflag:s0] =	ssyncset.done @!p0 $0x0  }
0xa9: {  	[sflag:s0] =	ssyncadd.s32 @!p0 s1  }
0xaa: {  	[bflag:$0x3] =	sbarrier.arrive $0xFFFF  }
0xab: {  	_ =	shalt  }

</sc_bundles>
